<compile_context>
chip_gen: v7x
topology: tpu7x:2x2x1
jax: 0.10.2.dev20260603
libtpu: 0.0.44.dev20260713+nightly
codegen_flags: <defaults>
</compile_context>

<pallas_src>
import functools

import jax
import jax.numpy as jnp
from jax import lax
from jax.experimental import pallas as pl
from jax.experimental.pallas import tpu as pltpu
from jax.experimental.pallas import tpu_sc as plsc

HID = 64
PAD = 128
LPAD = 56
IPAD = 128
NBUF = 8


def _gather_grid(b: int, l: int, hid: int, vocab: int):
    info = plsc.get_sparse_core_info()
    num_workers = info.num_cores * info.num_subcores
    bp_w = b // num_workers
    n_outer = bp_w // NBUF
    mesh = plsc.VectorSubcoreMesh(core_axis_name="c", subcore_axis_name="s")

    @functools.partial(
        pl.kernel,
        mesh=mesh,
        out_type=jax.ShapeDtypeStruct((b, LPAD, PAD), jnp.float32),
        scratch_types=[
            pltpu.VMEM((bp_w, IPAD), jnp.int32),
            pltpu.VMEM((NBUF, LPAD, hid), jnp.float32),
            pltpu.SemaphoreType.DMA((NBUF,)),
            pltpu.SemaphoreType.DMA((NBUF,)),
        ],
        compiler_params=pltpu.CompilerParams(use_tc_tiling_on_sc=False),
    )
    def k(idx_hbm, table_hbm, out_hbm, idx_v, rows_v, gsem, osem):
        wid = lax.axis_index("s") * info.num_cores + lax.axis_index("c")
        base_b = wid * bp_w
        pltpu.sync_copy(idx_hbm.at[pl.ds(base_b, bp_w)], idx_v)

        def start_gather(j, s):
            idx_c = idx_v.at[j].at[pl.ds(0, LPAD)]
            pltpu.make_async_copy(table_hbm.at[idx_c], rows_v.at[s],
                                  gsem.at[s]).start()

        for s in range(NBUF):
            start_gather(s, s)

        def outer(g, carry):
            for s in range(NBUF):
                j = g * NBUF + s
                pltpu.make_async_copy(
                    table_hbm.at[idx_v.at[0].at[pl.ds(0, LPAD)]],
                    rows_v.at[s], gsem.at[s]).wait()
                out_copy = pltpu.make_async_copy(
                    rows_v.at[s],
                    out_hbm.at[base_b + j].at[:, pl.ds(0, hid)],
                    osem.at[s])
                out_copy.start()
                out_copy.wait()

                @pl.when(j + NBUF < bp_w)
                def _():
                    start_gather(j + NBUF, s)

            return carry

        lax.fori_loop(0, n_outer, outer, 0)

    return k


def kernel(seq, len_seq, item_embeddings):
    b, l = seq.shape
    vocab = item_embeddings.shape[0]
    seq = seq.astype(jnp.int32)
    idx2 = jnp.concatenate(
        [seq, jnp.broadcast_to(seq[:, :1], (b, IPAD - l))], axis=1) * 2
    table2 = jnp.pad(item_embeddings,
                     ((0, 0), (0, PAD - HID))).reshape(2 * vocab, HID)
    out_padded = _gather_grid(b, l, HID, vocab)(idx2, table2)
    return out_padded[:, :l, :HID]

# --- scband reference (transcript-rebuilt; emitter-appended) ---
"""Pipeline reference for scband-dummy-rec-model-73830487818654 (READ-ONLY COPY).

The authoritative reference and input builder live on the scoring server;
editing this copy changes nothing except your own understanding.
"""

import jax, jax.numpy as jnp
import numpy as np

HIDDEN_SIZE = 64
NUM_ITEMS = 100000
BATCH = 4096
HIST_LEN = 50


def setup_inputs(seed: int = 0) -> dict:
    key = jax.random.key(seed)
    k1, k2, k3 = jax.random.split(key, 3)
    seq = jax.random.randint(k1, (BATCH, HIST_LEN), 0, NUM_ITEMS, dtype=jnp.int64 if jax.config.jax_enable_x64 else jnp.int32)
    len_seq = jax.random.randint(k2, (BATCH,), 1, HIST_LEN, dtype=jnp.int64 if jax.config.jax_enable_x64 else jnp.int32)
    # learned parameter: item embedding table, (num_items + 1, hidden_size)
    item_embeddings = jax.random.normal(k3, (NUM_ITEMS + 1, HIDDEN_SIZE), dtype=jnp.float32)
    return {"seq": seq, "len_seq": len_seq, "item_embeddings": item_embeddings}


def reference(seq, len_seq, item_embeddings):
    # Embedding lookup: table[seq] -> [B, L, hidden_size]
    # (The original class's representation methods return torch.randn placeholders;
    #  the deterministic, learnable computation is the embedding lookup.)
    emb = jnp.take(item_embeddings, seq, axis=0)
    return emb

if __name__ == "__main__":
    import jax
    _d = setup_inputs()
    print(jax.jit(kernel)(*tuple(_d.values())))

</pallas_src>

<mosaic_0001>
#map = affine_map<(d0, d1) -> (0, 0)>
#map1 = affine_map<(d0, d1) -> (0, 0, 0)>
module attributes {stable_mosaic.version = 14 : i64} {
  func.func @k(%arg0: i32, %arg1: i32, %arg2: memref<4096x128xi32, #tpu.memory_space<hbm>>, %arg3: memref<200002x64xf32, #tpu.memory_space<hbm>>, %arg4: memref<4096x56x128xf32, #tpu.memory_space<hbm>>, %arg5: memref<128x128xi32, #tpu.memory_space<vmem>>, %arg6: memref<8x56x64xf32, #tpu.memory_space<vmem>>, %arg7: memref<8x!tpu.dma_semaphore, #tpu.memory_space<semaphore_mem>>, %arg8: memref<8x!tpu.dma_semaphore, #tpu.memory_space<semaphore_mem>>) attributes {dimension_semantics = [#tpu.dimension_semantics<core_parallel>, #tpu.dimension_semantics<subcore_parallel>], iteration_bounds = array<i64: 2, 16>, scalar_prefetch = 0 : i64, scratch_operands = 4 : i64, tpu.core_type = #tpu.core_type<sc_vector_subcore>, window_params = [{transform_indices = #map}, {transform_indices = #map}, {transform_indices = #map1}]} {
    %mul3A = arith.constant 2 : i32
    %mul3A_0 = arith.muli %arg1, %mul3A : i32
    %add3A = arith.addi %mul3A_0, %arg0 : i32
    %mul3A_1 = arith.constant 128 : i32
    %mul3A_2 = arith.muli %add3A, %mul3A_1 : i32
    "tpu.region"() ({
      %run_scoped3A = tpu.sem_alloc : memref<!tpu.dma_semaphore, #tpu.memory_space<semaphore_mem>>
      %dma_start3A_143 = arith.constant 0 : i32
      %dma_start3A_144 = tpu.memref_slice %arg2[%mul3A_2, %dma_start3A_143] : memref<4096x128xi32, #tpu.memory_space<hbm>> -> memref<128x128xi32, #tpu.memory_space<hbm>>
      %dma_start3A_145 = arith.constant 0 : i32
      %dma_start3A_146 = tpu.memref_slice %arg2[%mul3A_2, %dma_start3A_145] : memref<4096x128xi32, #tpu.memory_space<hbm>> -> memref<128x128xi32, #tpu.memory_space<hbm>>
      tpu.enqueue_dma source(%dma_start3A_146 : memref<128x128xi32, #tpu.memory_space<hbm>>) target(%arg5 : memref<128x128xi32, #tpu.memory_space<vmem>>) target_semaphore(%run_scoped3A : memref<!tpu.dma_semaphore, #tpu.memory_space<semaphore_mem>>)
      %dma_wait3A = arith.constant 0 : i32
      %dma_wait3A_147 = tpu.memref_slice %arg2[%mul3A_2, %dma_wait3A] : memref<4096x128xi32, #tpu.memory_space<hbm>> -> memref<128x128xi32, #tpu.memory_space<hbm>>
      %dma_wait3A_148 = arith.constant 0 : i32
      %dma_wait3A_149 = tpu.memref_slice %arg2[%mul3A_2, %dma_wait3A_148] : memref<4096x128xi32, #tpu.memory_space<hbm>> -> memref<128x128xi32, #tpu.memory_space<hbm>>
      tpu.wait_dma2 semaphore(%run_scoped3A : memref<!tpu.dma_semaphore, #tpu.memory_space<semaphore_mem>>) src(%dma_wait3A_149 : memref<128x128xi32, #tpu.memory_space<hbm>>) dst(%arg5 : memref<128x128xi32, #tpu.memory_space<vmem>>)
      tpu.yield
    }) : () -> ()
    %dma_start3A = arith.constant 0 : i32
    %dma_start3A_3 = arith.constant 0 : i32
    %dma_start3A_4 = arith.constant 0 : i32
    %dma_start3A_5 = arith.constant 0 : i32
    %dma_start3A_6 = arith.constant 0 : i32
    %dma_start3A_7 = tpu.memref_slice %arg6[%dma_start3A_3, %dma_start3A_5, %dma_start3A_6] : memref<8x56x64xf32, #tpu.memory_space<vmem>> -> memref<1x56x64xf32, #tpu.memory_space<vmem>>
    %dma_start3A_8 = tpu.memref_squeeze %dma_start3A_7 : memref<1x56x64xf32, #tpu.memory_space<vmem>> -> memref<56x64xf32, #tpu.memory_space<vmem>>
    %dma_start3A_9 = arith.constant 0 : i32
    %dma_start3A_10 = tpu.memref_slice %arg5[%dma_start3A, %dma_start3A_9] : memref<128x128xi32, #tpu.memory_space<vmem>> -> memref<1x128xi32, #tpu.memory_space<vmem>>
    %dma_start3A_11 = tpu.memref_squeeze %dma_start3A_10 : memref<1x128xi32, #tpu.memory_space<vmem>> -> memref<128xi32, #tpu.memory_space<vmem>>
    %dma_start3A_12 = arith.constant 0 : i32
    %dma_start3A_13 = tpu.memref_slice %dma_start3A_11[%dma_start3A_12] : memref<128xi32, #tpu.memory_space<vmem>> -> memref<56xi32, #tpu.memory_space<vmem>>
    %dma_start3A_14 = arith.constant 0 : i32
    %dma_start3A_15 = arith.constant 0 : i32
    %dma_start3A_16 = tpu.memref_slice %arg3[%dma_start3A_14, %dma_start3A_15] : memref<200002x64xf32, #tpu.memory_space<hbm>> -> memref<200002x64xf32, #tpu.memory_space<hbm>>
    %dma_start3A_17 = tpu.memref_slice %arg7[%dma_start3A_4] : memref<8x!tpu.dma_semaphore, #tpu.memory_space<semaphore_mem>> -> memref<1x!tpu.dma_semaphore, #tpu.memory_space<semaphore_mem>>
    %dma_start3A_18 = tpu.memref_squeeze %dma_start3A_17 : memref<1x!tpu.dma_semaphore, #tpu.memory_space<semaphore_mem>> -> memref<!tpu.dma_semaphore, #tpu.memory_space<semaphore_mem>>
    tpu.enqueue_indirect_dma source(%dma_start3A_16 : memref<200002x64xf32, #tpu.memory_space<hbm>>) target(%dma_start3A_8 : memref<56x64xf32, #tpu.memory_space<vmem>>) offsets(%dma_start3A_13 : memref<56xi32, #tpu.memory_space<vmem>>) semaphore(%dma_start3A_18 : memref<!tpu.dma_semaphore, #tpu.memory_space<semaphore_mem>>)
    %dma_start3A_19 = arith.constant 1 : i32
    %dma_start3A_20 = arith.constant 1 : i32
    %dma_start3A_21 = arith.constant 1 : i32
    %dma_start3A_22 = arith.constant 0 : i32
    %dma_start3A_23 = arith.constant 0 : i32
    %dma_start3A_24 = tpu.memref_slice %arg6[%dma_start3A_20, %dma_start3A_22, %dma_start3A_23] : memref<8x56x64xf32, #tpu.memory_space<vmem>> -> memref<1x56x64xf32, #tpu.memory_space<vmem>>
    %dma_start3A_25 = tpu.memref_squeeze %dma_start3A_24 : memref<1x56x64xf32, #tpu.memory_space<vmem>> -> memref<56x64xf32, #tpu.memory_space<vmem>>
    %dma_start3A_26 = arith.constant 0 : i32
    %dma_start3A_27 = tpu.memref_slice %arg5[%dma_start3A_19, %dma_start3A_26] : memref<128x128xi32, #tpu.memory_space<vmem>> -> memref<1x128xi32, #tpu.memory_space<vmem>>
    %dma_start3A_28 = tpu.memref_squeeze %dma_start3A_27 : memref<1x128xi32, #tpu.memory_space<vmem>> -> memref<128xi32, #tpu.memory_space<vmem>>
    %dma_start3A_29 = arith.constant 0 : i32
    %dma_start3A_30 = tpu.memref_slice %dma_start3A_28[%dma_start3A_29] : memref<128xi32, #tpu.memory_space<vmem>> -> memref<56xi32, #tpu.memory_space<vmem>>
    %dma_start3A_31 = arith.constant 0 : i32
    %dma_start3A_32 = arith.constant 0 : i32
    %dma_start3A_33 = tpu.memref_slice %arg3[%dma_start3A_31, %dma_start3A_32] : memref<200002x64xf32, #tpu.memory_space<hbm>> -> memref<200002x64xf32, #tpu.memory_space<hbm>>
    %dma_start3A_34 = tpu.memref_slice %arg7[%dma_start3A_21] : memref<8x!tpu.dma_semaphore, #tpu.memory_space<semaphore_mem>> -> memref<1x!tpu.dma_semaphore, #tpu.memory_space<semaphore_mem>>
    %dma_start3A_35 = tpu.memref_squeeze %dma_start3A_34 : memref<1x!tpu.dma_semaphore, #tpu.memory_space<semaphore_mem>> -> memref<!tpu.dma_semaphore, #tpu.memory_space<semaphore_mem>>
    tpu.enqueue_indirect_dma source(%dma_start3A_33 : memref<200002x64xf32, #tpu.memory_space<hbm>>) target(%dma_start3A_25 : memref<56x64xf32, #tpu.memory_space<vmem>>) offsets(%dma_start3A_30 : memref<56xi32, #tpu.memory_space<vmem>>) semaphore(%dma_start3A_35 : memref<!tpu.dma_semaphore, #tpu.memory_space<semaphore_mem>>)
    %dma_start3A_36 = arith.constant 2 : i32
    %dma_start3A_37 = arith.constant 2 : i32
    %dma_start3A_38 = arith.constant 2 : i32
    %dma_start3A_39 = arith.constant 0 : i32
    %dma_start3A_40 = arith.constant 0 : i32
    %dma_start3A_41 = tpu.memref_slice %arg6[%dma_start3A_37, %dma_start3A_39, %dma_start3A_40] : memref<8x56x64xf32, #tpu.memory_space<vmem>> -> memref<1x56x64xf32, #tpu.memory_space<vmem>>
    %dma_start3A_42 = tpu.memref_squeeze %dma_start3A_41 : memref<1x56x64xf32, #tpu.memory_space<vmem>> -> memref<56x64xf32, #tpu.memory_space<vmem>>
    %dma_start3A_43 = arith.constant 0 : i32
    %dma_start3A_44 = tpu.memref_slice %arg5[%dma_start3A_36, %dma_start3A_43] : memref<128x128xi32, #tpu.memory_space<vmem>> -> memref<1x128xi32, #tpu.memory_space<vmem>>
    %dma_start3A_45 = tpu.memref_squeeze %dma_start3A_44 : memref<1x128xi32, #tpu.memory_space<vmem>> -> memref<128xi32, #tpu.memory_space<vmem>>
    %dma_start3A_46 = arith.constant 0 : i32
    %dma_start3A_47 = tpu.memref_slice %dma_start3A_45[%dma_start3A_46] : memref<128xi32, #tpu.memory_space<vmem>> -> memref<56xi32, #tpu.memory_space<vmem>>
    %dma_start3A_48 = arith.constant 0 : i32
    %dma_start3A_49 = arith.constant 0 : i32
    %dma_start3A_50 = tpu.memref_slice %arg3[%dma_start3A_48, %dma_start3A_49] : memref<200002x64xf32, #tpu.memory_space<hbm>> -> memref<200002x64xf32, #tpu.memory_space<hbm>>
    %dma_start3A_51 = tpu.memref_slice %arg7[%dma_start3A_38] : memref<8x!tpu.dma_semaphore, #tpu.memory_space<semaphore_mem>> -> memref<1x!tpu.dma_semaphore, #tpu.memory_space<semaphore_mem>>
    %dma_start3A_52 = tpu.memref_squeeze %dma_start3A_51 : memref<1x!tpu.dma_semaphore, #tpu.memory_space<semaphore_mem>> -> memref<!tpu.dma_semaphore, #tpu.memory_space<semaphore_mem>>
    tpu.enqueue_indirect_dma source(%dma_start3A_50 : memref<200002x64xf32, #tpu.memory_space<hbm>>) target(%dma_start3A_42 : memref<56x64xf32, #tpu.memory_space<vmem>>) offsets(%dma_start3A_47 : memref<56xi32, #tpu.memory_space<vmem>>) semaphore(%dma_start3A_52 : memref<!tpu.dma_semaphore, #tpu.memory_space<semaphore_mem>>)
    %dma_start3A_53 = arith.constant 3 : i32
    %dma_start3A_54 = arith.constant 3 : i32
    %dma_start3A_55 = arith.constant 3 : i32
    %dma_start3A_56 = arith.constant 0 : i32
    %dma_start3A_57 = arith.constant 0 : i32
    %dma_start3A_58 = tpu.memref_slice %arg6[%dma_start3A_54, %dma_start3A_56, %dma_start3A_57] : memref<8x56x64xf32, #tpu.memory_space<vmem>> -> memref<1x56x64xf32, #tpu.memory_space<vmem>>
    %dma_start3A_59 = tpu.memref_squeeze %dma_start3A_58 : memref<1x56x64xf32, #tpu.memory_space<vmem>> -> memref<56x64xf32, #tpu.memory_space<vmem>>
    %dma_start3A_60 = arith.constant 0 : i32
    %dma_start3A_61 = tpu.memref_slice %arg5[%dma_start3A_53, %dma_start3A_60] : memref<128x128xi32, #tpu.memory_space<vmem>> -> memref<1x128xi32, #tpu.memory_space<vmem>>
    %dma_start3A_62 = tpu.memref_squeeze %dma_start3A_61 : memref<1x128xi32, #tpu.memory_space<vmem>> -> memref<128xi32, #tpu.memory_space<vmem>>
    %dma_start3A_63 = arith.constant 0 : i32
    %dma_start3A_64 = tpu.memref_slice %dma_start3A_62[%dma_start3A_63] : memref<128xi32, #tpu.memory_space<vmem>> -> memref<56xi32, #tpu.memory_space<vmem>>
    %dma_start3A_65 = arith.constant 0 : i32
    %dma_start3A_66 = arith.constant 0 : i32
    %dma_start3A_67 = tpu.memref_slice %arg3[%dma_start3A_65, %dma_start3A_66] : memref<200002x64xf32, #tpu.memory_space<hbm>> -> memref<200002x64xf32, #tpu.memory_space<hbm>>
    %dma_start3A_68 = tpu.memref_slice %arg7[%dma_start3A_55] : memref<8x!tpu.dma_semaphore, #tpu.memory_space<semaphore_mem>> -> memref<1x!tpu.dma_semaphore, #tpu.memory_space<semaphore_mem>>
    %dma_start3A_69 = tpu.memref_squeeze %dma_start3A_68 : memref<1x!tpu.dma_semaphore, #tpu.memory_space<semaphore_mem>> -> memref<!tpu.dma_semaphore, #tpu.memory_space<semaphore_mem>>
    tpu.enqueue_indirect_dma source(%dma_start3A_67 : memref<200002x64xf32, #tpu.memory_space<hbm>>) target(%dma_start3A_59 : memref<56x64xf32, #tpu.memory_space<vmem>>) offsets(%dma_start3A_64 : memref<56xi32, #tpu.memory_space<vmem>>) semaphore(%dma_start3A_69 : memref<!tpu.dma_semaphore, #tpu.memory_space<semaphore_mem>>)
    %dma_start3A_70 = arith.constant 4 : i32
    %dma_start3A_71 = arith.constant 4 : i32
    %dma_start3A_72 = arith.constant 4 : i32
    %dma_start3A_73 = arith.constant 0 : i32
    %dma_start3A_74 = arith.constant 0 : i32
    %dma_start3A_75 = tpu.memref_slice %arg6[%dma_start3A_71, %dma_start3A_73, %dma_start3A_74] : memref<8x56x64xf32, #tpu.memory_space<vmem>> -> memref<1x56x64xf32, #tpu.memory_space<vmem>>
    %dma_start3A_76 = tpu.memref_squeeze %dma_start3A_75 : memref<1x56x64xf32, #tpu.memory_space<vmem>> -> memref<56x64xf32, #tpu.memory_space<vmem>>
    %dma_start3A_77 = arith.constant 0 : i32
    %dma_start3A_78 = tpu.memref_slice %arg5[%dma_start3A_70, %dma_start3A_77] : memref<128x128xi32, #tpu.memory_space<vmem>> -> memref<1x128xi32, #tpu.memory_space<vmem>>
    %dma_start3A_79 = tpu.memref_squeeze %dma_start3A_78 : memref<1x128xi32, #tpu.memory_space<vmem>> -> memref<128xi32, #tpu.memory_space<vmem>>
    %dma_start3A_80 = arith.constant 0 : i32
    %dma_start3A_81 = tpu.memref_slice %dma_start3A_79[%dma_start3A_80] : memref<128xi32, #tpu.memory_space<vmem>> -> memref<56xi32, #tpu.memory_space<vmem>>
    %dma_start3A_82 = arith.constant 0 : i32
    %dma_start3A_83 = arith.constant 0 : i32
    %dma_start3A_84 = tpu.memref_slice %arg3[%dma_start3A_82, %dma_start3A_83] : memref<200002x64xf32, #tpu.memory_space<hbm>> -> memref<200002x64xf32, #tpu.memory_space<hbm>>
    %dma_start3A_85 = tpu.memref_slice %arg7[%dma_start3A_72] : memref<8x!tpu.dma_semaphore, #tpu.memory_space<semaphore_mem>> -> memref<1x!tpu.dma_semaphore, #tpu.memory_space<semaphore_mem>>
    %dma_start3A_86 = tpu.memref_squeeze %dma_start3A_85 : memref<1x!tpu.dma_semaphore, #tpu.memory_space<semaphore_mem>> -> memref<!tpu.dma_semaphore, #tpu.memory_space<semaphore_mem>>
    tpu.enqueue_indirect_dma source(%dma_start3A_84 : memref<200002x64xf32, #tpu.memory_space<hbm>>) target(%dma_start3A_76 : memref<56x64xf32, #tpu.memory_space<vmem>>) offsets(%dma_start3A_81 : memref<56xi32, #tpu.memory_space<vmem>>) semaphore(%dma_start3A_86 : memref<!tpu.dma_semaphore, #tpu.memory_space<semaphore_mem>>)
    %dma_start3A_87 = arith.constant 5 : i32
    %dma_start3A_88 = arith.constant 5 : i32
    %dma_start3A_89 = arith.constant 5 : i32
    %dma_start3A_90 = arith.constant 0 : i32
    %dma_start3A_91 = arith.constant 0 : i32
    %dma_start3A_92 = tpu.memref_slice %arg6[%dma_start3A_88, %dma_start3A_90, %dma_start3A_91] : memref<8x56x64xf32, #tpu.memory_space<vmem>> -> memref<1x56x64xf32, #tpu.memory_space<vmem>>
    %dma_start3A_93 = tpu.memref_squeeze %dma_start3A_92 : memref<1x56x64xf32, #tpu.memory_space<vmem>> -> memref<56x64xf32, #tpu.memory_space<vmem>>
    %dma_start3A_94 = arith.constant 0 : i32
    %dma_start3A_95 = tpu.memref_slice %arg5[%dma_start3A_87, %dma_start3A_94] : memref<128x128xi32, #tpu.memory_space<vmem>> -> memref<1x128xi32, #tpu.memory_space<vmem>>
    %dma_start3A_96 = tpu.memref_squeeze %dma_start3A_95 : memref<1x128xi32, #tpu.memory_space<vmem>> -> memref<128xi32, #tpu.memory_space<vmem>>
    %dma_start3A_97 = arith.constant 0 : i32
    %dma_start3A_98 = tpu.memref_slice %dma_start3A_96[%dma_start3A_97] : memref<128xi32, #tpu.memory_space<vmem>> -> memref<56xi32, #tpu.memory_space<vmem>>
    %dma_start3A_99 = arith.constant 0 : i32
    %dma_start3A_100 = arith.constant 0 : i32
    %dma_start3A_101 = tpu.memref_slice %arg3[%dma_start3A_99, %dma_start3A_100] : memref<200002x64xf32, #tpu.memory_space<hbm>> -> memref<200002x64xf32, #tpu.memory_space<hbm>>
    %dma_start3A_102 = tpu.memref_slice %arg7[%dma_start3A_89] : memref<8x!tpu.dma_semaphore, #tpu.memory_space<semaphore_mem>> -> memref<1x!tpu.dma_semaphore, #tpu.memory_space<semaphore_mem>>
    %dma_start3A_103 = tpu.memref_squeeze %dma_start3A_102 : memref<1x!tpu.dma_semaphore, #tpu.memory_space<semaphore_mem>> -> memref<!tpu.dma_semaphore, #tpu.memory_space<semaphore_mem>>
    tpu.enqueue_indirect_dma source(%dma_start3A_101 : memref<200002x64xf32, #tpu.memory_space<hbm>>) target(%dma_start3A_93 : memref<56x64xf32, #tpu.memory_space<vmem>>) offsets(%dma_start3A_98 : memref<56xi32, #tpu.memory_space<vmem>>) semaphore(%dma_start3A_103 : memref<!tpu.dma_semaphore, #tpu.memory_space<semaphore_mem>>)
    %dma_start3A_104 = arith.constant 6 : i32
    %dma_start3A_105 = arith.constant 6 : i32
    %dma_start3A_106 = arith.constant 6 : i32
    %dma_start3A_107 = arith.constant 0 : i32
    %dma_start3A_108 = arith.constant 0 : i32
    %dma_start3A_109 = tpu.memref_slice %arg6[%dma_start3A_105, %dma_start3A_107, %dma_start3A_108] : memref<8x56x64xf32, #tpu.memory_space<vmem>> -> memref<1x56x64xf32, #tpu.memory_space<vmem>>
    %dma_start3A_110 = tpu.memref_squeeze %dma_start3A_109 : memref<1x56x64xf32, #tpu.memory_space<vmem>> -> memref<56x64xf32, #tpu.memory_space<vmem>>
    %dma_start3A_111 = arith.constant 0 : i32
    %dma_start3A_112 = tpu.memref_slice %arg5[%dma_start3A_104, %dma_start3A_111] : memref<128x128xi32, #tpu.memory_space<vmem>> -> memref<1x128xi32, #tpu.memory_space<vmem>>
    %dma_start3A_113 = tpu.memref_squeeze %dma_start3A_112 : memref<1x128xi32, #tpu.memory_space<vmem>> -> memref<128xi32, #tpu.memory_space<vmem>>
    %dma_start3A_114 = arith.constant 0 : i32
    %dma_start3A_115 = tpu.memref_slice %dma_start3A_113[%dma_start3A_114] : memref<128xi32, #tpu.memory_space<vmem>> -> memref<56xi32, #tpu.memory_space<vmem>>
    %dma_start3A_116 = arith.constant 0 : i32
    %dma_start3A_117 = arith.constant 0 : i32
    %dma_start3A_118 = tpu.memref_slice %arg3[%dma_start3A_116, %dma_start3A_117] : memref<200002x64xf32, #tpu.memory_space<hbm>> -> memref<200002x64xf32, #tpu.memory_space<hbm>>
    %dma_start3A_119 = tpu.memref_slice %arg7[%dma_start3A_106] : memref<8x!tpu.dma_semaphore, #tpu.memory_space<semaphore_mem>> -> memref<1x!tpu.dma_semaphore, #tpu.memory_space<semaphore_mem>>
    %dma_start3A_120 = tpu.memref_squeeze %dma_start3A_119 : memref<1x!tpu.dma_semaphore, #tpu.memory_space<semaphore_mem>> -> memref<!tpu.dma_semaphore, #tpu.memory_space<semaphore_mem>>
    tpu.enqueue_indirect_dma source(%dma_start3A_118 : memref<200002x64xf32, #tpu.memory_space<hbm>>) target(%dma_start3A_110 : memref<56x64xf32, #tpu.memory_space<vmem>>) offsets(%dma_start3A_115 : memref<56xi32, #tpu.memory_space<vmem>>) semaphore(%dma_start3A_120 : memref<!tpu.dma_semaphore, #tpu.memory_space<semaphore_mem>>)
    %dma_start3A_121 = arith.constant 7 : i32
    %dma_start3A_122 = arith.constant 7 : i32
    %dma_start3A_123 = arith.constant 7 : i32
    %dma_start3A_124 = arith.constant 0 : i32
    %dma_start3A_125 = arith.constant 0 : i32
    %dma_start3A_126 = tpu.memref_slice %arg6[%dma_start3A_122, %dma_start3A_124, %dma_start3A_125] : memref<8x56x64xf32, #tpu.memory_space<vmem>> -> memref<1x56x64xf32, #tpu.memory_space<vmem>>
    %dma_start3A_127 = tpu.memref_squeeze %dma_start3A_126 : memref<1x56x64xf32, #tpu.memory_space<vmem>> -> memref<56x64xf32, #tpu.memory_space<vmem>>
    %dma_start3A_128 = arith.constant 0 : i32
    %dma_start3A_129 = tpu.memref_slice %arg5[%dma_start3A_121, %dma_start3A_128] : memref<128x128xi32, #tpu.memory_space<vmem>> -> memref<1x128xi32, #tpu.memory_space<vmem>>
    %dma_start3A_130 = tpu.memref_squeeze %dma_start3A_129 : memref<1x128xi32, #tpu.memory_space<vmem>> -> memref<128xi32, #tpu.memory_space<vmem>>
    %dma_start3A_131 = arith.constant 0 : i32
    %dma_start3A_132 = tpu.memref_slice %dma_start3A_130[%dma_start3A_131] : memref<128xi32, #tpu.memory_space<vmem>> -> memref<56xi32, #tpu.memory_space<vmem>>
    %dma_start3A_133 = arith.constant 0 : i32
    %dma_start3A_134 = arith.constant 0 : i32
    %dma_start3A_135 = tpu.memref_slice %arg3[%dma_start3A_133, %dma_start3A_134] : memref<200002x64xf32, #tpu.memory_space<hbm>> -> memref<200002x64xf32, #tpu.memory_space<hbm>>
    %dma_start3A_136 = tpu.memref_slice %arg7[%dma_start3A_123] : memref<8x!tpu.dma_semaphore, #tpu.memory_space<semaphore_mem>> -> memref<1x!tpu.dma_semaphore, #tpu.memory_space<semaphore_mem>>
    %dma_start3A_137 = tpu.memref_squeeze %dma_start3A_136 : memref<1x!tpu.dma_semaphore, #tpu.memory_space<semaphore_mem>> -> memref<!tpu.dma_semaphore, #tpu.memory_space<semaphore_mem>>
    tpu.enqueue_indirect_dma source(%dma_start3A_135 : memref<200002x64xf32, #tpu.memory_space<hbm>>) target(%dma_start3A_127 : memref<56x64xf32, #tpu.memory_space<vmem>>) offsets(%dma_start3A_132 : memref<56xi32, #tpu.memory_space<vmem>>) semaphore(%dma_start3A_137 : memref<!tpu.dma_semaphore, #tpu.memory_space<semaphore_mem>>)
    %scan3A = arith.constant 0 : i32
    %scan3A_138 = arith.constant 0 : i32
    %scan3A_139 = arith.constant 16 : i32
    %scan3A_140 = arith.addi %scan3A_138, %scan3A_139 : i32
    %scan3A_141 = arith.constant 1 : i32
    scf.for %scan3A_143 = %scan3A_138 to %scan3A_140 step %scan3A_141  : i32 {
      %mul3A_144 = arith.constant 8 : i32
      %mul3A_145 = arith.muli %scan3A_143, %mul3A_144 : i32
      %add3A_146 = arith.constant 0 : i32
      %add3A_147 = arith.addi %mul3A_145, %add3A_146 : i32
      %dma_wait3A = arith.constant 0 : i32
      %dma_wait3A_148 = arith.constant 0 : i32
      %dma_wait3A_149 = arith.constant 0 : i32
      %dma_wait3A_150 = arith.constant 0 : i32
      %dma_wait3A_151 = arith.constant 0 : i32
      %dma_wait3A_152 = tpu.memref_slice %arg6[%dma_wait3A_148, %dma_wait3A_150, %dma_wait3A_151] : memref<8x56x64xf32, #tpu.memory_space<vmem>> -> memref<1x56x64xf32, #tpu.memory_space<vmem>>
      %dma_wait3A_153 = tpu.memref_squeeze %dma_wait3A_152 : memref<1x56x64xf32, #tpu.memory_space<vmem>> -> memref<56x64xf32, #tpu.memory_space<vmem>>
      %dma_wait3A_154 = arith.constant 0 : i32
      %dma_wait3A_155 = tpu.memref_slice %arg5[%dma_wait3A, %dma_wait3A_154] : memref<128x128xi32, #tpu.memory_space<vmem>> -> memref<1x128xi32, #tpu.memory_space<vmem>>
      %dma_wait3A_156 = tpu.memref_squeeze %dma_wait3A_155 : memref<1x128xi32, #tpu.memory_space<vmem>> -> memref<128xi32, #tpu.memory_space<vmem>>
      %dma_wait3A_157 = arith.constant 0 : i32
      %dma_wait3A_158 = tpu.memref_slice %dma_wait3A_156[%dma_wait3A_157] : memref<128xi32, #tpu.memory_space<vmem>> -> memref<56xi32, #tpu.memory_space<vmem>>
      %dma_wait3A_159 = arith.constant 0 : i32
      %dma_wait3A_160 = arith.constant 0 : i32
      %dma_wait3A_161 = tpu.memref_slice %arg3[%dma_wait3A_159, %dma_wait3A_160] : memref<200002x64xf32, #tpu.memory_space<hbm>> -> memref<200002x64xf32, #tpu.memory_space<hbm>>
      %dma_wait3A_162 = tpu.memref_slice %arg7[%dma_wait3A_149] : memref<8x!tpu.dma_semaphore, #tpu.memory_space<semaphore_mem>> -> memref<1x!tpu.dma_semaphore, #tpu.memory_space<semaphore_mem>>
      %dma_wait3A_163 = tpu.memref_squeeze %dma_wait3A_162 : memref<1x!tpu.dma_semaphore, #tpu.memory_space<semaphore_mem>> -> memref<!tpu.dma_semaphore, #tpu.memory_space<semaphore_mem>>
      tpu.wait_indirect_dma semaphore(%dma_wait3A_163 : memref<!tpu.dma_semaphore, #tpu.memory_space<semaphore_mem>>) src(%dma_wait3A_161 : memref<200002x64xf32, #tpu.memory_space<hbm>>) dst(%dma_wait3A_153 : memref<56x64xf32, #tpu.memory_space<vmem>>)
      %add3A_164 = arith.addi %mul3A_2, %add3A_147 : i32
      %dma_start3A_165 = arith.constant 0 : i32
      %dma_start3A_166 = arith.constant 0 : i32
      %dma_start3A_167 = arith.constant 0 : i32
      %dma_start3A_168 = arith.constant 0 : i32
      %dma_start3A_169 = tpu.memref_slice %arg6[%dma_start3A_165, %dma_start3A_167, %dma_start3A_168] : memref<8x56x64xf32, #tpu.memory_space<vmem>> -> memref<1x56x64xf32, #tpu.memory_space<vmem>>
      %dma_start3A_170 = tpu.memref_squeeze %dma_start3A_169 : memref<1x56x64xf32, #tpu.memory_space<vmem>> -> memref<56x64xf32, #tpu.memory_space<vmem>>
      %dma_start3A_171 = arith.constant 0 : i32
      %dma_start3A_172 = arith.constant 0 : i32
      %dma_start3A_173 = tpu.memref_slice %arg4[%add3A_164, %dma_start3A_171, %dma_start3A_172] : memref<4096x56x128xf32, #tpu.memory_space<hbm>> -> memref<1x56x128xf32, #tpu.memory_space<hbm>>
      %dma_start3A_174 = tpu.memref_squeeze %dma_start3A_173 : memref<1x56x128xf32, #tpu.memory_space<hbm>> -> memref<56x128xf32, #tpu.memory_space<hbm>>
      %dma_start3A_175 = arith.constant 0 : i32
      %dma_start3A_176 = arith.constant 0 : i32
      %dma_start3A_177 = tpu.memref_slice %dma_start3A_174[%dma_start3A_175, %dma_start3A_176] : memref<56x128xf32, #tpu.memory_space<hbm>> -> memref<56x64xf32, #tpu.memory_space<hbm>>
      %dma_start3A_178 = tpu.memref_slice %arg8[%dma_start3A_166] : memref<8x!tpu.dma_semaphore, #tpu.memory_space<semaphore_mem>> -> memref<1x!tpu.dma_semaphore, #tpu.memory_space<semaphore_mem>>
      %dma_start3A_179 = tpu.memref_squeeze %dma_start3A_178 : memref<1x!tpu.dma_semaphore, #tpu.memory_space<semaphore_mem>> -> memref<!tpu.dma_semaphore, #tpu.memory_space<semaphore_mem>>
      %dma_start3A_180 = arith.constant 0 : i32
      %dma_start3A_181 = arith.constant 0 : i32
      %dma_start3A_182 = tpu.memref_slice %arg4[%add3A_164, %dma_start3A_180, %dma_start3A_181] : memref<4096x56x128xf32, #tpu.memory_space<hbm>> -> memref<1x56x128xf32, #tpu.memory_space<hbm>>
      %dma_start3A_183 = tpu.memref_squeeze %dma_start3A_182 : memref<1x56x128xf32, #tpu.memory_space<hbm>> -> memref<56x128xf32, #tpu.memory_space<hbm>>
      %dma_start3A_184 = arith.constant 0 : i32
      %dma_start3A_185 = arith.constant 0 : i32
      %dma_start3A_186 = tpu.memref_slice %dma_start3A_183[%dma_start3A_184, %dma_start3A_185] : memref<56x128xf32, #tpu.memory_space<hbm>> -> memref<56x64xf32, #tpu.memory_space<hbm>>
      %dma_start3A_187 = arith.constant 0 : i32
      %dma_start3A_188 = arith.constant 0 : i32
      %dma_start3A_189 = tpu.memref_slice %arg6[%dma_start3A_165, %dma_start3A_187, %dma_start3A_188] : memref<8x56x64xf32, #tpu.memory_space<vmem>> -> memref<1x56x64xf32, #tpu.memory_space<vmem>>
      %dma_start3A_190 = tpu.memref_squeeze %dma_start3A_189 : memref<1x56x64xf32, #tpu.memory_space<vmem>> -> memref<56x64xf32, #tpu.memory_space<vmem>>
      tpu.enqueue_dma source(%dma_start3A_190 : memref<56x64xf32, #tpu.memory_space<vmem>>) target(%dma_start3A_186 : memref<56x64xf32, #tpu.memory_space<hbm>>) target_semaphore(%dma_start3A_179 : memref<!tpu.dma_semaphore, #tpu.memory_space<semaphore_mem>>)
      %dma_wait3A_191 = arith.constant 0 : i32
      %dma_wait3A_192 = arith.constant 0 : i32
      %dma_wait3A_193 = arith.constant 0 : i32
      %dma_wait3A_194 = arith.constant 0 : i32
      %dma_wait3A_195 = tpu.memref_slice %arg6[%dma_wait3A_191, %dma_wait3A_193, %dma_wait3A_194] : memref<8x56x64xf32, #tpu.memory_space<vmem>> -> memref<1x56x64xf32, #tpu.memory_space<vmem>>
      %dma_wait3A_196 = tpu.memref_squeeze %dma_wait3A_195 : memref<1x56x64xf32, #tpu.memory_space<vmem>> -> memref<56x64xf32, #tpu.memory_space<vmem>>
      %dma_wait3A_197 = arith.constant 0 : i32
      %dma_wait3A_198 = arith.constant 0 : i32
      %dma_wait3A_199 = tpu.memref_slice %arg4[%add3A_164, %dma_wait3A_197, %dma_wait3A_198] : memref<4096x56x128xf32, #tpu.memory_space<hbm>> -> memref<1x56x128xf32, #tpu.memory_space<hbm>>
      %dma_wait3A_200 = tpu.memref_squeeze %dma_wait3A_199 : memref<1x56x128xf32, #tpu.memory_space<hbm>> -> memref<56x128xf32, #tpu.memory_space<hbm>>
      %dma_wait3A_201 = arith.constant 0 : i32
      %dma_wait3A_202 = arith.constant 0 : i32
      %dma_wait3A_203 = tpu.memref_slice %dma_wait3A_200[%dma_wait3A_201, %dma_wait3A_202] : memref<56x128xf32, #tpu.memory_space<hbm>> -> memref<56x64xf32, #tpu.memory_space<hbm>>
      %dma_wait3A_204 = tpu.memref_slice %arg8[%dma_wait3A_192] : memref<8x!tpu.dma_semaphore, #tpu.memory_space<semaphore_mem>> -> memref<1x!tpu.dma_semaphore, #tpu.memory_space<semaphore_mem>>
      %dma_wait3A_205 = tpu.memref_squeeze %dma_wait3A_204 : memref<1x!tpu.dma_semaphore, #tpu.memory_space<semaphore_mem>> -> memref<!tpu.dma_semaphore, #tpu.memory_space<semaphore_mem>>
      %dma_wait3A_206 = arith.constant 0 : i32
      %dma_wait3A_207 = arith.constant 0 : i32
      %dma_wait3A_208 = tpu.memref_slice %arg4[%add3A_164, %dma_wait3A_206, %dma_wait3A_207] : memref<4096x56x128xf32, #tpu.memory_space<hbm>> -> memref<1x56x128xf32, #tpu.memory_space<hbm>>
      %dma_wait3A_209 = tpu.memref_squeeze %dma_wait3A_208 : memref<1x56x128xf32, #tpu.memory_space<hbm>> -> memref<56x128xf32, #tpu.memory_space<hbm>>
      %dma_wait3A_210 = arith.constant 0 : i32
      %dma_wait3A_211 = arith.constant 0 : i32
      %dma_wait3A_212 = tpu.memref_slice %dma_wait3A_209[%dma_wait3A_210, %dma_wait3A_211] : memref<56x128xf32, #tpu.memory_space<hbm>> -> memref<56x64xf32, #tpu.memory_space<hbm>>
      %dma_wait3A_213 = arith.constant 0 : i32
      %dma_wait3A_214 = arith.constant 0 : i32
      %dma_wait3A_215 = tpu.memref_slice %arg6[%dma_wait3A_191, %dma_wait3A_213, %dma_wait3A_214] : memref<8x56x64xf32, #tpu.memory_space<vmem>> -> memref<1x56x64xf32, #tpu.memory_space<vmem>>
      %dma_wait3A_216 = tpu.memref_squeeze %dma_wait3A_215 : memref<1x56x64xf32, #tpu.memory_space<vmem>> -> memref<56x64xf32, #tpu.memory_space<vmem>>
      tpu.wait_dma2 semaphore(%dma_wait3A_205 : memref<!tpu.dma_semaphore, #tpu.memory_space<semaphore_mem>>) src(%dma_wait3A_216 : memref<56x64xf32, #tpu.memory_space<vmem>>) dst(%dma_wait3A_212 : memref<56x64xf32, #tpu.memory_space<hbm>>)
      %add3A_217 = arith.constant 8 : i32
      %add3A_218 = arith.addi %add3A_147, %add3A_217 : i32
      %lt3A = arith.constant 128 : i32
      %lt3A_219 = arith.cmpi slt, %add3A_218, %lt3A : i32
      %convert_element_type3A = arith.extui %lt3A_219 : i1 to i32
      %cond3A = arith.constant 0 : i32
      %cond3A_220 = arith.cmpi ne, %convert_element_type3A, %cond3A : i32
      scf.if %cond3A_220 {
        %add3A_788 = arith.constant 8 : i32
        %add3A_789 = arith.addi %add3A_147, %add3A_788 : i32
        %dma_start3A_790 = arith.constant 0 : i32
        %dma_start3A_791 = arith.constant 0 : i32
        %dma_start3A_792 = arith.constant 0 : i32
        %dma_start3A_793 = arith.constant 0 : i32
        %dma_start3A_794 = tpu.memref_slice %arg6[%dma_start3A_790, %dma_start3A_792, %dma_start3A_793] : memref<8x56x64xf32, #tpu.memory_space<vmem>> -> memref<1x56x64xf32, #tpu.memory_space<vmem>>
        %dma_start3A_795 = tpu.memref_squeeze %dma_start3A_794 : memref<1x56x64xf32, #tpu.memory_space<vmem>> -> memref<56x64xf32, #tpu.memory_space<vmem>>
        %dma_start3A_796 = arith.constant 0 : i32
        %dma_start3A_797 = tpu.memref_slice %arg5[%add3A_789, %dma_start3A_796] : memref<128x128xi32, #tpu.memory_space<vmem>> -> memref<1x128xi32, #tpu.memory_space<vmem>>
        %dma_start3A_798 = tpu.memref_squeeze %dma_start3A_797 : memref<1x128xi32, #tpu.memory_space<vmem>> -> memref<128xi32, #tpu.memory_space<vmem>>
        %dma_start3A_799 = arith.constant 0 : i32
        %dma_start3A_800 = tpu.memref_slice %dma_start3A_798[%dma_start3A_799] : memref<128xi32, #tpu.memory_space<vmem>> -> memref<56xi32, #tpu.memory_space<vmem>>
        %dma_start3A_801 = arith.constant 0 : i32
        %dma_start3A_802 = arith.constant 0 : i32
        %dma_start3A_803 = tpu.memref_slice %arg3[%dma_start3A_801, %dma_start3A_802] : memref<200002x64xf32, #tpu.memory_space<hbm>> -> memref<200002x64xf32, #tpu.memory_space<hbm>>
        %dma_start3A_804 = tpu.memref_slice %arg7[%dma_start3A_791] : memref<8x!tpu.dma_semaphore, #tpu.memory_space<semaphore_mem>> -> memref<1x!tpu.dma_semaphore, #tpu.memory_space<semaphore_mem>>
        %dma_start3A_805 = tpu.memref_squeeze %dma_start3A_804 : memref<1x!tpu.dma_semaphore, #tpu.memory_space<semaphore_mem>> -> memref<!tpu.dma_semaphore, #tpu.memory_space<semaphore_mem>>
        tpu.enqueue_indirect_dma source(%dma_start3A_803 : memref<200002x64xf32, #tpu.memory_space<hbm>>) target(%dma_start3A_795 : memref<56x64xf32, #tpu.memory_space<vmem>>) offsets(%dma_start3A_800 : memref<56xi32, #tpu.memory_space<vmem>>) semaphore(%dma_start3A_805 : memref<!tpu.dma_semaphore, #tpu.memory_space<semaphore_mem>>)
      } else {
      }
      %mul3A_221 = arith.constant 8 : i32
      %mul3A_222 = arith.muli %scan3A_143, %mul3A_221 : i32
      %add3A_223 = arith.constant 1 : i32
      %add3A_224 = arith.addi %mul3A_222, %add3A_223 : i32
      %dma_wait3A_225 = arith.constant 0 : i32
      %dma_wait3A_226 = arith.constant 1 : i32
      %dma_wait3A_227 = arith.constant 1 : i32
      %dma_wait3A_228 = arith.constant 0 : i32
      %dma_wait3A_229 = arith.constant 0 : i32
      %dma_wait3A_230 = tpu.memref_slice %arg6[%dma_wait3A_226, %dma_wait3A_228, %dma_wait3A_229] : memref<8x56x64xf32, #tpu.memory_space<vmem>> -> memref<1x56x64xf32, #tpu.memory_space<vmem>>
      %dma_wait3A_231 = tpu.memref_squeeze %dma_wait3A_230 : memref<1x56x64xf32, #tpu.memory_space<vmem>> -> memref<56x64xf32, #tpu.memory_space<vmem>>
      %dma_wait3A_232 = arith.constant 0 : i32
      %dma_wait3A_233 = tpu.memref_slice %arg5[%dma_wait3A_225, %dma_wait3A_232] : memref<128x128xi32, #tpu.memory_space<vmem>> -> memref<1x128xi32, #tpu.memory_space<vmem>>
      %dma_wait3A_234 = tpu.memref_squeeze %dma_wait3A_233 : memref<1x128xi32, #tpu.memory_space<vmem>> -> memref<128xi32, #tpu.memory_space<vmem>>
      %dma_wait3A_235 = arith.constant 0 : i32
      %dma_wait3A_236 = tpu.memref_slice %dma_wait3A_234[%dma_wait3A_235] : memref<128xi32, #tpu.memory_space<vmem>> -> memref<56xi32, #tpu.memory_space<vmem>>
      %dma_wait3A_237 = arith.constant 0 : i32
      %dma_wait3A_238 = arith.constant 0 : i32
      %dma_wait3A_239 = tpu.memref_slice %arg3[%dma_wait3A_237, %dma_wait3A_238] : memref<200002x64xf32, #tpu.memory_space<hbm>> -> memref<200002x64xf32, #tpu.memory_space<hbm>>
      %dma_wait3A_240 = tpu.memref_slice %arg7[%dma_wait3A_227] : memref<8x!tpu.dma_semaphore, #tpu.memory_space<semaphore_mem>> -> memref<1x!tpu.dma_semaphore, #tpu.memory_space<semaphore_mem>>
      %dma_wait3A_241 = tpu.memref_squeeze %dma_wait3A_240 : memref<1x!tpu.dma_semaphore, #tpu.memory_space<semaphore_mem>> -> memref<!tpu.dma_semaphore, #tpu.memory_space<semaphore_mem>>
      tpu.wait_indirect_dma semaphore(%dma_wait3A_241 : memref<!tpu.dma_semaphore, #tpu.memory_space<semaphore_mem>>) src(%dma_wait3A_239 : memref<200002x64xf32, #tpu.memory_space<hbm>>) dst(%dma_wait3A_231 : memref<56x64xf32, #tpu.memory_space<vmem>>)
      %add3A_242 = arith.addi %mul3A_2, %add3A_224 : i32
      %dma_start3A_243 = arith.constant 1 : i32
      %dma_start3A_244 = arith.constant 1 : i32
      %dma_start3A_245 = arith.constant 0 : i32
      %dma_start3A_246 = arith.constant 0 : i32
      %dma_start3A_247 = tpu.memref_slice %arg6[%dma_start3A_243, %dma_start3A_245, %dma_start3A_246] : memref<8x56x64xf32, #tpu.memory_space<vmem>> -> memref<1x56x64xf32, #tpu.memory_space<vmem>>
      %dma_start3A_248 = tpu.memref_squeeze %dma_start3A_247 : memref<1x56x64xf32, #tpu.memory_space<vmem>> -> memref<56x64xf32, #tpu.memory_space<vmem>>
      %dma_start3A_249 = arith.constant 0 : i32
      %dma_start3A_250 = arith.constant 0 : i32
      %dma_start3A_251 = tpu.memref_slice %arg4[%add3A_242, %dma_start3A_249, %dma_start3A_250] : memref<4096x56x128xf32, #tpu.memory_space<hbm>> -> memref<1x56x128xf32, #tpu.memory_space<hbm>>
      %dma_start3A_252 = tpu.memref_squeeze %dma_start3A_251 : memref<1x56x128xf32, #tpu.memory_space<hbm>> -> memref<56x128xf32, #tpu.memory_space<hbm>>
      %dma_start3A_253 = arith.constant 0 : i32
      %dma_start3A_254 = arith.constant 0 : i32
      %dma_start3A_255 = tpu.memref_slice %dma_start3A_252[%dma_start3A_253, %dma_start3A_254] : memref<56x128xf32, #tpu.memory_space<hbm>> -> memref<56x64xf32, #tpu.memory_space<hbm>>
      %dma_start3A_256 = tpu.memref_slice %arg8[%dma_start3A_244] : memref<8x!tpu.dma_semaphore, #tpu.memory_space<semaphore_mem>> -> memref<1x!tpu.dma_semaphore, #tpu.memory_space<semaphore_mem>>
      %dma_start3A_257 = tpu.memref_squeeze %dma_start3A_256 : memref<1x!tpu.dma_semaphore, #tpu.memory_space<semaphore_mem>> -> memref<!tpu.dma_semaphore, #tpu.memory_space<semaphore_mem>>
      %dma_start3A_258 = arith.constant 0 : i32
      %dma_start3A_259 = arith.constant 0 : i32
      %dma_start3A_260 = tpu.memref_slice %arg4[%add3A_242, %dma_start3A_258, %dma_start3A_259] : memref<4096x56x128xf32, #tpu.memory_space<hbm>> -> memref<1x56x128xf32, #tpu.memory_space<hbm>>
      %dma_start3A_261 = tpu.memref_squeeze %dma_start3A_260 : memref<1x56x128xf32, #tpu.memory_space<hbm>> -> memref<56x128xf32, #tpu.memory_space<hbm>>
      %dma_start3A_262 = arith.constant 0 : i32
      %dma_start3A_263 = arith.constant 0 : i32
      %dma_start3A_264 = tpu.memref_slice %dma_start3A_261[%dma_start3A_262, %dma_start3A_263] : memref<56x128xf32, #tpu.memory_space<hbm>> -> memref<56x64xf32, #tpu.memory_space<hbm>>
      %dma_start3A_265 = arith.constant 0 : i32
      %dma_start3A_266 = arith.constant 0 : i32
      %dma_start3A_267 = tpu.memref_slice %arg6[%dma_start3A_243, %dma_start3A_265, %dma_start3A_266] : memref<8x56x64xf32, #tpu.memory_space<vmem>> -> memref<1x56x64xf32, #tpu.memory_space<vmem>>
      %dma_start3A_268 = tpu.memref_squeeze %dma_start3A_267 : memref<1x56x64xf32, #tpu.memory_space<vmem>> -> memref<56x64xf32, #tpu.memory_space<vmem>>
      tpu.enqueue_dma source(%dma_start3A_268 : memref<56x64xf32, #tpu.memory_space<vmem>>) target(%dma_start3A_264 : memref<56x64xf32, #tpu.memory_space<hbm>>) target_semaphore(%dma_start3A_257 : memref<!tpu.dma_semaphore, #tpu.memory_space<semaphore_mem>>)
      %dma_wait3A_269 = arith.constant 1 : i32
      %dma_wait3A_270 = arith.constant 1 : i32
      %dma_wait3A_271 = arith.constant 0 : i32
      %dma_wait3A_272 = arith.constant 0 : i32
      %dma_wait3A_273 = tpu.memref_slice %arg6[%dma_wait3A_269, %dma_wait3A_271, %dma_wait3A_272] : memref<8x56x64xf32, #tpu.memory_space<vmem>> -> memref<1x56x64xf32, #tpu.memory_space<vmem>>
      %dma_wait3A_274 = tpu.memref_squeeze %dma_wait3A_273 : memref<1x56x64xf32, #tpu.memory_space<vmem>> -> memref<56x64xf32, #tpu.memory_space<vmem>>
      %dma_wait3A_275 = arith.constant 0 : i32
      %dma_wait3A_276 = arith.constant 0 : i32
      %dma_wait3A_277 = tpu.memref_slice %arg4[%add3A_242, %dma_wait3A_275, %dma_wait3A_276] : memref<4096x56x128xf32, #tpu.memory_space<hbm>> -> memref<1x56x128xf32, #tpu.memory_space<hbm>>
      %dma_wait3A_278 = tpu.memref_squeeze %dma_wait3A_277 : memref<1x56x128xf32, #tpu.memory_space<hbm>> -> memref<56x128xf32, #tpu.memory_space<hbm>>
      %dma_wait3A_279 = arith.constant 0 : i32
      %dma_wait3A_280 = arith.constant 0 : i32
      %dma_wait3A_281 = tpu.memref_slice %dma_wait3A_278[%dma_wait3A_279, %dma_wait3A_280] : memref<56x128xf32, #tpu.memory_space<hbm>> -> memref<56x64xf32, #tpu.memory_space<hbm>>
      %dma_wait3A_282 = tpu.memref_slice %arg8[%dma_wait3A_270] : memref<8x!tpu.dma_semaphore, #tpu.memory_space<semaphore_mem>> -> memref<1x!tpu.dma_semaphore, #tpu.memory_space<semaphore_mem>>
      %dma_wait3A_283 = tpu.memref_squeeze %dma_wait3A_282 : memref<1x!tpu.dma_semaphore, #tpu.memory_space<semaphore_mem>> -> memref<!tpu.dma_semaphore, #tpu.memory_space<semaphore_mem>>
      %dma_wait3A_284 = arith.constant 0 : i32
      %dma_wait3A_285 = arith.constant 0 : i32
      %dma_wait3A_286 = tpu.memref_slice %arg4[%add3A_242, %dma_wait3A_284, %dma_wait3A_285] : memref<4096x56x128xf32, #tpu.memory_space<hbm>> -> memref<1x56x128xf32, #tpu.memory_space<hbm>>
      %dma_wait3A_287 = tpu.memref_squeeze %dma_wait3A_286 : memref<1x56x128xf32, #tpu.memory_space<hbm>> -> memref<56x128xf32, #tpu.memory_space<hbm>>
      %dma_wait3A_288 = arith.constant 0 : i32
      %dma_wait3A_289 = arith.constant 0 : i32
      %dma_wait3A_290 = tpu.memref_slice %dma_wait3A_287[%dma_wait3A_288, %dma_wait3A_289] : memref<56x128xf32, #tpu.memory_space<hbm>> -> memref<56x64xf32, #tpu.memory_space<hbm>>
      %dma_wait3A_291 = arith.constant 0 : i32
      %dma_wait3A_292 = arith.constant 0 : i32
      %dma_wait3A_293 = tpu.memref_slice %arg6[%dma_wait3A_269, %dma_wait3A_291, %dma_wait3A_292] : memref<8x56x64xf32, #tpu.memory_space<vmem>> -> memref<1x56x64xf32, #tpu.memory_space<vmem>>
      %dma_wait3A_294 = tpu.memref_squeeze %dma_wait3A_293 : memref<1x56x64xf32, #tpu.memory_space<vmem>> -> memref<56x64xf32, #tpu.memory_space<vmem>>
      tpu.wait_dma2 semaphore(%dma_wait3A_283 : memref<!tpu.dma_semaphore, #tpu.memory_space<semaphore_mem>>) src(%dma_wait3A_294 : memref<56x64xf32, #tpu.memory_space<vmem>>) dst(%dma_wait3A_290 : memref<56x64xf32, #tpu.memory_space<hbm>>)
      %add3A_295 = arith.constant 8 : i32
      %add3A_296 = arith.addi %add3A_224, %add3A_295 : i32
      %lt3A_297 = arith.constant 128 : i32
      %lt3A_298 = arith.cmpi slt, %add3A_296, %lt3A_297 : i32
      %convert_element_type3A_299 = arith.extui %lt3A_298 : i1 to i32
      %cond3A_300 = arith.constant 0 : i32
      %cond3A_301 = arith.cmpi ne, %convert_element_type3A_299, %cond3A_300 : i32
      scf.if %cond3A_301 {
        %add3A_788 = arith.constant 8 : i32
        %add3A_789 = arith.addi %add3A_224, %add3A_788 : i32
        %dma_start3A_790 = arith.constant 1 : i32
        %dma_start3A_791 = arith.constant 1 : i32
        %dma_start3A_792 = arith.constant 0 : i32
        %dma_start3A_793 = arith.constant 0 : i32
        %dma_start3A_794 = tpu.memref_slice %arg6[%dma_start3A_790, %dma_start3A_792, %dma_start3A_793] : memref<8x56x64xf32, #tpu.memory_space<vmem>> -> memref<1x56x64xf32, #tpu.memory_space<vmem>>
        %dma_start3A_795 = tpu.memref_squeeze %dma_start3A_794 : memref<1x56x64xf32, #tpu.memory_space<vmem>> -> memref<56x64xf32, #tpu.memory_space<vmem>>
        %dma_start3A_796 = arith.constant 0 : i32
        %dma_start3A_797 = tpu.memref_slice %arg5[%add3A_789, %dma_start3A_796] : memref<128x128xi32, #tpu.memory_space<vmem>> -> memref<1x128xi32, #tpu.memory_space<vmem>>
        %dma_start3A_798 = tpu.memref_squeeze %dma_start3A_797 : memref<1x128xi32, #tpu.memory_space<vmem>> -> memref<128xi32, #tpu.memory_space<vmem>>
        %dma_start3A_799 = arith.constant 0 : i32
        %dma_start3A_800 = tpu.memref_slice %dma_start3A_798[%dma_start3A_799] : memref<128xi32, #tpu.memory_space<vmem>> -> memref<56xi32, #tpu.memory_space<vmem>>
        %dma_start3A_801 = arith.constant 0 : i32
        %dma_start3A_802 = arith.constant 0 : i32
        %dma_start3A_803 = tpu.memref_slice %arg3[%dma_start3A_801, %dma_start3A_802] : memref<200002x64xf32, #tpu.memory_space<hbm>> -> memref<200002x64xf32, #tpu.memory_space<hbm>>
        %dma_start3A_804 = tpu.memref_slice %arg7[%dma_start3A_791] : memref<8x!tpu.dma_semaphore, #tpu.memory_space<semaphore_mem>> -> memref<1x!tpu.dma_semaphore, #tpu.memory_space<semaphore_mem>>
        %dma_start3A_805 = tpu.memref_squeeze %dma_start3A_804 : memref<1x!tpu.dma_semaphore, #tpu.memory_space<semaphore_mem>> -> memref<!tpu.dma_semaphore, #tpu.memory_space<semaphore_mem>>
        tpu.enqueue_indirect_dma source(%dma_start3A_803 : memref<200002x64xf32, #tpu.memory_space<hbm>>) target(%dma_start3A_795 : memref<56x64xf32, #tpu.memory_space<vmem>>) offsets(%dma_start3A_800 : memref<56xi32, #tpu.memory_space<vmem>>) semaphore(%dma_start3A_805 : memref<!tpu.dma_semaphore, #tpu.memory_space<semaphore_mem>>)
      } else {
      }
      %mul3A_302 = arith.constant 8 : i32
      %mul3A_303 = arith.muli %scan3A_143, %mul3A_302 : i32
      %add3A_304 = arith.constant 2 : i32
      %add3A_305 = arith.addi %mul3A_303, %add3A_304 : i32
      %dma_wait3A_306 = arith.constant 0 : i32
      %dma_wait3A_307 = arith.constant 2 : i32
      %dma_wait3A_308 = arith.constant 2 : i32
      %dma_wait3A_309 = arith.constant 0 : i32
      %dma_wait3A_310 = arith.constant 0 : i32
      %dma_wait3A_311 = tpu.memref_slice %arg6[%dma_wait3A_307, %dma_wait3A_309, %dma_wait3A_310] : memref<8x56x64xf32, #tpu.memory_space<vmem>> -> memref<1x56x64xf32, #tpu.memory_space<vmem>>
      %dma_wait3A_312 = tpu.memref_squeeze %dma_wait3A_311 : memref<1x56x64xf32, #tpu.memory_space<vmem>> -> memref<56x64xf32, #tpu.memory_space<vmem>>
      %dma_wait3A_313 = arith.constant 0 : i32
      %dma_wait3A_314 = tpu.memref_slice %arg5[%dma_wait3A_306, %dma_wait3A_313] : memref<128x128xi32, #tpu.memory_space<vmem>> -> memref<1x128xi32, #tpu.memory_space<vmem>>
      %dma_wait3A_315 = tpu.memref_squeeze %dma_wait3A_314 : memref<1x128xi32, #tpu.memory_space<vmem>> -> memref<128xi32, #tpu.memory_space<vmem>>
      %dma_wait3A_316 = arith.constant 0 : i32
      %dma_wait3A_317 = tpu.memref_slice %dma_wait3A_315[%dma_wait3A_316] : memref<128xi32, #tpu.memory_space<vmem>> -> memref<56xi32, #tpu.memory_space<vmem>>
      %dma_wait3A_318 = arith.constant 0 : i32
      %dma_wait3A_319 = arith.constant 0 : i32
      %dma_wait3A_320 = tpu.memref_slice %arg3[%dma_wait3A_318, %dma_wait3A_319] : memref<200002x64xf32, #tpu.memory_space<hbm>> -> memref<200002x64xf32, #tpu.memory_space<hbm>>
      %dma_wait3A_321 = tpu.memref_slice %arg7[%dma_wait3A_308] : memref<8x!tpu.dma_semaphore, #tpu.memory_space<semaphore_mem>> -> memref<1x!tpu.dma_semaphore, #tpu.memory_space<semaphore_mem>>
      %dma_wait3A_322 = tpu.memref_squeeze %dma_wait3A_321 : memref<1x!tpu.dma_semaphore, #tpu.memory_space<semaphore_mem>> -> memref<!tpu.dma_semaphore, #tpu.memory_space<semaphore_mem>>
      tpu.wait_indirect_dma semaphore(%dma_wait3A_322 : memref<!tpu.dma_semaphore, #tpu.memory_space<semaphore_mem>>) src(%dma_wait3A_320 : memref<200002x64xf32, #tpu.memory_space<hbm>>) dst(%dma_wait3A_312 : memref<56x64xf32, #tpu.memory_space<vmem>>)
      %add3A_323 = arith.addi %mul3A_2, %add3A_305 : i32
      %dma_start3A_324 = arith.constant 2 : i32
      %dma_start3A_325 = arith.constant 2 : i32
      %dma_start3A_326 = arith.constant 0 : i32
      %dma_start3A_327 = arith.constant 0 : i32
      %dma_start3A_328 = tpu.memref_slice %arg6[%dma_start3A_324, %dma_start3A_326, %dma_start3A_327] : memref<8x56x64xf32, #tpu.memory_space<vmem>> -> memref<1x56x64xf32, #tpu.memory_space<vmem>>
      %dma_start3A_329 = tpu.memref_squeeze %dma_start3A_328 : memref<1x56x64xf32, #tpu.memory_space<vmem>> -> memref<56x64xf32, #tpu.memory_space<vmem>>
      %dma_start3A_330 = arith.constant 0 : i32
      %dma_start3A_331 = arith.constant 0 : i32
      %dma_start3A_332 = tpu.memref_slice %arg4[%add3A_323, %dma_start3A_330, %dma_start3A_331] : memref<4096x56x128xf32, #tpu.memory_space<hbm>> -> memref<1x56x128xf32, #tpu.memory_space<hbm>>
      %dma_start3A_333 = tpu.memref_squeeze %dma_start3A_332 : memref<1x56x128xf32, #tpu.memory_space<hbm>> -> memref<56x128xf32, #tpu.memory_space<hbm>>
      %dma_start3A_334 = arith.constant 0 : i32
      %dma_start3A_335 = arith.constant 0 : i32
      %dma_start3A_336 = tpu.memref_slice %dma_start3A_333[%dma_start3A_334, %dma_start3A_335] : memref<56x128xf32, #tpu.memory_space<hbm>> -> memref<56x64xf32, #tpu.memory_space<hbm>>
      %dma_start3A_337 = tpu.memref_slice %arg8[%dma_start3A_325] : memref<8x!tpu.dma_semaphore, #tpu.memory_space<semaphore_mem>> -> memref<1x!tpu.dma_semaphore, #tpu.memory_space<semaphore_mem>>
      %dma_start3A_338 = tpu.memref_squeeze %dma_start3A_337 : memref<1x!tpu.dma_semaphore, #tpu.memory_space<semaphore_mem>> -> memref<!tpu.dma_semaphore, #tpu.memory_space<semaphore_mem>>
      %dma_start3A_339 = arith.constant 0 : i32
      %dma_start3A_340 = arith.constant 0 : i32
      %dma_start3A_341 = tpu.memref_slice %arg4[%add3A_323, %dma_start3A_339, %dma_start3A_340] : memref<4096x56x128xf32, #tpu.memory_space<hbm>> -> memref<1x56x128xf32, #tpu.memory_space<hbm>>
      %dma_start3A_342 = tpu.memref_squeeze %dma_start3A_341 : memref<1x56x128xf32, #tpu.memory_space<hbm>> -> memref<56x128xf32, #tpu.memory_space<hbm>>
      %dma_start3A_343 = arith.constant 0 : i32
      %dma_start3A_344 = arith.constant 0 : i32
      %dma_start3A_345 = tpu.memref_slice %dma_start3A_342[%dma_start3A_343, %dma_start3A_344] : memref<56x128xf32, #tpu.memory_space<hbm>> -> memref<56x64xf32, #tpu.memory_space<hbm>>
      %dma_start3A_346 = arith.constant 0 : i32
      %dma_start3A_347 = arith.constant 0 : i32
      %dma_start3A_348 = tpu.memref_slice %arg6[%dma_start3A_324, %dma_start3A_346, %dma_start3A_347] : memref<8x56x64xf32, #tpu.memory_space<vmem>> -> memref<1x56x64xf32, #tpu.memory_space<vmem>>
      %dma_start3A_349 = tpu.memref_squeeze %dma_start3A_348 : memref<1x56x64xf32, #tpu.memory_space<vmem>> -> memref<56x64xf32, #tpu.memory_space<vmem>>
      tpu.enqueue_dma source(%dma_start3A_349 : memref<56x64xf32, #tpu.memory_space<vmem>>) target(%dma_start3A_345 : memref<56x64xf32, #tpu.memory_space<hbm>>) target_semaphore(%dma_start3A_338 : memref<!tpu.dma_semaphore, #tpu.memory_space<semaphore_mem>>)
      %dma_wait3A_350 = arith.constant 2 : i32
      %dma_wait3A_351 = arith.constant 2 : i32
      %dma_wait3A_352 = arith.constant 0 : i32
      %dma_wait3A_353 = arith.constant 0 : i32
      %dma_wait3A_354 = tpu.memref_slice %arg6[%dma_wait3A_350, %dma_wait3A_352, %dma_wait3A_353] : memref<8x56x64xf32, #tpu.memory_space<vmem>> -> memref<1x56x64xf32, #tpu.memory_space<vmem>>
      %dma_wait3A_355 = tpu.memref_squeeze %dma_wait3A_354 : memref<1x56x64xf32, #tpu.memory_space<vmem>> -> memref<56x64xf32, #tpu.memory_space<vmem>>
      %dma_wait3A_356 = arith.constant 0 : i32
      %dma_wait3A_357 = arith.constant 0 : i32
      %dma_wait3A_358 = tpu.memref_slice %arg4[%add3A_323, %dma_wait3A_356, %dma_wait3A_357] : memref<4096x56x128xf32, #tpu.memory_space<hbm>> -> memref<1x56x128xf32, #tpu.memory_space<hbm>>
      %dma_wait3A_359 = tpu.memref_squeeze %dma_wait3A_358 : memref<1x56x128xf32, #tpu.memory_space<hbm>> -> memref<56x128xf32, #tpu.memory_space<hbm>>
      %dma_wait3A_360 = arith.constant 0 : i32
      %dma_wait3A_361 = arith.constant 0 : i32
      %dma_wait3A_362 = tpu.memref_slice %dma_wait3A_359[%dma_wait3A_360, %dma_wait3A_361] : memref<56x128xf32, #tpu.memory_space<hbm>> -> memref<56x64xf32, #tpu.memory_space<hbm>>
      %dma_wait3A_363 = tpu.memref_slice %arg8[%dma_wait3A_351] : memref<8x!tpu.dma_semaphore, #tpu.memory_space<semaphore_mem>> -> memref<1x!tpu.dma_semaphore, #tpu.memory_space<semaphore_mem>>
      %dma_wait3A_364 = tpu.memref_squeeze %dma_wait3A_363 : memref<1x!tpu.dma_semaphore, #tpu.memory_space<semaphore_mem>> -> memref<!tpu.dma_semaphore, #tpu.memory_space<semaphore_mem>>
      %dma_wait3A_365 = arith.constant 0 : i32
      %dma_wait3A_366 = arith.constant 0 : i32
      %dma_wait3A_367 = tpu.memref_slice %arg4[%add3A_323, %dma_wait3A_365, %dma_wait3A_366] : memref<4096x56x128xf32, #tpu.memory_space<hbm>> -> memref<1x56x128xf32, #tpu.memory_space<hbm>>
      %dma_wait3A_368 = tpu.memref_squeeze %dma_wait3A_367 : memref<1x56x128xf32, #tpu.memory_space<hbm>> -> memref<56x128xf32, #tpu.memory_space<hbm>>
      %dma_wait3A_369 = arith.constant 0 : i32
      %dma_wait3A_370 = arith.constant 0 : i32
      %dma_wait3A_371 = tpu.memref_slice %dma_wait3A_368[%dma_wait3A_369, %dma_wait3A_370] : memref<56x128xf32, #tpu.memory_space<hbm>> -> memref<56x64xf32, #tpu.memory_space<hbm>>
      %dma_wait3A_372 = arith.constant 0 : i32
      %dma_wait3A_373 = arith.constant 0 : i32
      %dma_wait3A_374 = tpu.memref_slice %arg6[%dma_wait3A_350, %dma_wait3A_372, %dma_wait3A_373] : memref<8x56x64xf32, #tpu.memory_space<vmem>> -> memref<1x56x64xf32, #tpu.memory_space<vmem>>
      %dma_wait3A_375 = tpu.memref_squeeze %dma_wait3A_374 : memref<1x56x64xf32, #tpu.memory_space<vmem>> -> memref<56x64xf32, #tpu.memory_space<vmem>>
      tpu.wait_dma2 semaphore(%dma_wait3A_364 : memref<!tpu.dma_semaphore, #tpu.memory_space<semaphore_mem>>) src(%dma_wait3A_375 : memref<56x64xf32, #tpu.memory_space<vmem>>) dst(%dma_wait3A_371 : memref<56x64xf32, #tpu.memory_space<hbm>>)
      %add3A_376 = arith.constant 8 : i32
      %add3A_377 = arith.addi %add3A_305, %add3A_376 : i32
      %lt3A_378 = arith.constant 128 : i32
      %lt3A_379 = arith.cmpi slt, %add3A_377, %lt3A_378 : i32
      %convert_element_type3A_380 = arith.extui %lt3A_379 : i1 to i32
      %cond3A_381 = arith.constant 0 : i32
      %cond3A_382 = arith.cmpi ne, %convert_element_type3A_380, %cond3A_381 : i32
      scf.if %cond3A_382 {
        %add3A_788 = arith.constant 8 : i32
        %add3A_789 = arith.addi %add3A_305, %add3A_788 : i32
        %dma_start3A_790 = arith.constant 2 : i32
        %dma_start3A_791 = arith.constant 2 : i32
        %dma_start3A_792 = arith.constant 0 : i32
        %dma_start3A_793 = arith.constant 0 : i32
        %dma_start3A_794 = tpu.memref_slice %arg6[%dma_start3A_790, %dma_start3A_792, %dma_start3A_793] : memref<8x56x64xf32, #tpu.memory_space<vmem>> -> memref<1x56x64xf32, #tpu.memory_space<vmem>>
        %dma_start3A_795 = tpu.memref_squeeze %dma_start3A_794 : memref<1x56x64xf32, #tpu.memory_space<vmem>> -> memref<56x64xf32, #tpu.memory_space<vmem>>
        %dma_start3A_796 = arith.constant 0 : i32
        %dma_start3A_797 = tpu.memref_slice %arg5[%add3A_789, %dma_start3A_796] : memref<128x128xi32, #tpu.memory_space<vmem>> -> memref<1x128xi32, #tpu.memory_space<vmem>>
        %dma_start3A_798 = tpu.memref_squeeze %dma_start3A_797 : memref<1x128xi32, #tpu.memory_space<vmem>> -> memref<128xi32, #tpu.memory_space<vmem>>
        %dma_start3A_799 = arith.constant 0 : i32
        %dma_start3A_800 = tpu.memref_slice %dma_start3A_798[%dma_start3A_799] : memref<128xi32, #tpu.memory_space<vmem>> -> memref<56xi32, #tpu.memory_space<vmem>>
        %dma_start3A_801 = arith.constant 0 : i32
        %dma_start3A_802 = arith.constant 0 : i32
        %dma_start3A_803 = tpu.memref_slice %arg3[%dma_start3A_801, %dma_start3A_802] : memref<200002x64xf32, #tpu.memory_space<hbm>> -> memref<200002x64xf32, #tpu.memory_space<hbm>>
        %dma_start3A_804 = tpu.memref_slice %arg7[%dma_start3A_791] : memref<8x!tpu.dma_semaphore, #tpu.memory_space<semaphore_mem>> -> memref<1x!tpu.dma_semaphore, #tpu.memory_space<semaphore_mem>>
        %dma_start3A_805 = tpu.memref_squeeze %dma_start3A_804 : memref<1x!tpu.dma_semaphore, #tpu.memory_space<semaphore_mem>> -> memref<!tpu.dma_semaphore, #tpu.memory_space<semaphore_mem>>
        tpu.enqueue_indirect_dma source(%dma_start3A_803 : memref<200002x64xf32, #tpu.memory_space<hbm>>) target(%dma_start3A_795 : memref<56x64xf32, #tpu.memory_space<vmem>>) offsets(%dma_start3A_800 : memref<56xi32, #tpu.memory_space<vmem>>) semaphore(%dma_start3A_805 : memref<!tpu.dma_semaphore, #tpu.memory_space<semaphore_mem>>)
      } else {
      }
      %mul3A_383 = arith.constant 8 : i32
      %mul3A_384 = arith.muli %scan3A_143, %mul3A_383 : i32
      %add3A_385 = arith.constant 3 : i32
      %add3A_386 = arith.addi %mul3A_384, %add3A_385 : i32
      %dma_wait3A_387 = arith.constant 0 : i32
      %dma_wait3A_388 = arith.constant 3 : i32
      %dma_wait3A_389 = arith.constant 3 : i32
      %dma_wait3A_390 = arith.constant 0 : i32
      %dma_wait3A_391 = arith.constant 0 : i32
      %dma_wait3A_392 = tpu.memref_slice %arg6[%dma_wait3A_388, %dma_wait3A_390, %dma_wait3A_391] : memref<8x56x64xf32, #tpu.memory_space<vmem>> -> memref<1x56x64xf32, #tpu.memory_space<vmem>>
      %dma_wait3A_393 = tpu.memref_squeeze %dma_wait3A_392 : memref<1x56x64xf32, #tpu.memory_space<vmem>> -> memref<56x64xf32, #tpu.memory_space<vmem>>
      %dma_wait3A_394 = arith.constant 0 : i32
      %dma_wait3A_395 = tpu.memref_slice %arg5[%dma_wait3A_387, %dma_wait3A_394] : memref<128x128xi32, #tpu.memory_space<vmem>> -> memref<1x128xi32, #tpu.memory_space<vmem>>
      %dma_wait3A_396 = tpu.memref_squeeze %dma_wait3A_395 : memref<1x128xi32, #tpu.memory_space<vmem>> -> memref<128xi32, #tpu.memory_space<vmem>>
      %dma_wait3A_397 = arith.constant 0 : i32
      %dma_wait3A_398 = tpu.memref_slice %dma_wait3A_396[%dma_wait3A_397] : memref<128xi32, #tpu.memory_space<vmem>> -> memref<56xi32, #tpu.memory_space<vmem>>
      %dma_wait3A_399 = arith.constant 0 : i32
      %dma_wait3A_400 = arith.constant 0 : i32
      %dma_wait3A_401 = tpu.memref_slice %arg3[%dma_wait3A_399, %dma_wait3A_400] : memref<200002x64xf32, #tpu.memory_space<hbm>> -> memref<200002x64xf32, #tpu.memory_space<hbm>>
      %dma_wait3A_402 = tpu.memref_slice %arg7[%dma_wait3A_389] : memref<8x!tpu.dma_semaphore, #tpu.memory_space<semaphore_mem>> -> memref<1x!tpu.dma_semaphore, #tpu.memory_space<semaphore_mem>>
      %dma_wait3A_403 = tpu.memref_squeeze %dma_wait3A_402 : memref<1x!tpu.dma_semaphore, #tpu.memory_space<semaphore_mem>> -> memref<!tpu.dma_semaphore, #tpu.memory_space<semaphore_mem>>
      tpu.wait_indirect_dma semaphore(%dma_wait3A_403 : memref<!tpu.dma_semaphore, #tpu.memory_space<semaphore_mem>>) src(%dma_wait3A_401 : memref<200002x64xf32, #tpu.memory_space<hbm>>) dst(%dma_wait3A_393 : memref<56x64xf32, #tpu.memory_space<vmem>>)
      %add3A_404 = arith.addi %mul3A_2, %add3A_386 : i32
      %dma_start3A_405 = arith.constant 3 : i32
      %dma_start3A_406 = arith.constant 3 : i32
      %dma_start3A_407 = arith.constant 0 : i32
      %dma_start3A_408 = arith.constant 0 : i32
      %dma_start3A_409 = tpu.memref_slice %arg6[%dma_start3A_405, %dma_start3A_407, %dma_start3A_408] : memref<8x56x64xf32, #tpu.memory_space<vmem>> -> memref<1x56x64xf32, #tpu.memory_space<vmem>>
      %dma_start3A_410 = tpu.memref_squeeze %dma_start3A_409 : memref<1x56x64xf32, #tpu.memory_space<vmem>> -> memref<56x64xf32, #tpu.memory_space<vmem>>
      %dma_start3A_411 = arith.constant 0 : i32
      %dma_start3A_412 = arith.constant 0 : i32
      %dma_start3A_413 = tpu.memref_slice %arg4[%add3A_404, %dma_start3A_411, %dma_start3A_412] : memref<4096x56x128xf32, #tpu.memory_space<hbm>> -> memref<1x56x128xf32, #tpu.memory_space<hbm>>
      %dma_start3A_414 = tpu.memref_squeeze %dma_start3A_413 : memref<1x56x128xf32, #tpu.memory_space<hbm>> -> memref<56x128xf32, #tpu.memory_space<hbm>>
      %dma_start3A_415 = arith.constant 0 : i32
      %dma_start3A_416 = arith.constant 0 : i32
      %dma_start3A_417 = tpu.memref_slice %dma_start3A_414[%dma_start3A_415, %dma_start3A_416] : memref<56x128xf32, #tpu.memory_space<hbm>> -> memref<56x64xf32, #tpu.memory_space<hbm>>
      %dma_start3A_418 = tpu.memref_slice %arg8[%dma_start3A_406] : memref<8x!tpu.dma_semaphore, #tpu.memory_space<semaphore_mem>> -> memref<1x!tpu.dma_semaphore, #tpu.memory_space<semaphore_mem>>
      %dma_start3A_419 = tpu.memref_squeeze %dma_start3A_418 : memref<1x!tpu.dma_semaphore, #tpu.memory_space<semaphore_mem>> -> memref<!tpu.dma_semaphore, #tpu.memory_space<semaphore_mem>>
      %dma_start3A_420 = arith.constant 0 : i32
      %dma_start3A_421 = arith.constant 0 : i32
      %dma_start3A_422 = tpu.memref_slice %arg4[%add3A_404, %dma_start3A_420, %dma_start3A_421] : memref<4096x56x128xf32, #tpu.memory_space<hbm>> -> memref<1x56x128xf32, #tpu.memory_space<hbm>>
      %dma_start3A_423 = tpu.memref_squeeze %dma_start3A_422 : memref<1x56x128xf32, #tpu.memory_space<hbm>> -> memref<56x128xf32, #tpu.memory_space<hbm>>
      %dma_start3A_424 = arith.constant 0 : i32
      %dma_start3A_425 = arith.constant 0 : i32
      %dma_start3A_426 = tpu.memref_slice %dma_start3A_423[%dma_start3A_424, %dma_start3A_425] : memref<56x128xf32, #tpu.memory_space<hbm>> -> memref<56x64xf32, #tpu.memory_space<hbm>>
      %dma_start3A_427 = arith.constant 0 : i32
      %dma_start3A_428 = arith.constant 0 : i32
      %dma_start3A_429 = tpu.memref_slice %arg6[%dma_start3A_405, %dma_start3A_427, %dma_start3A_428] : memref<8x56x64xf32, #tpu.memory_space<vmem>> -> memref<1x56x64xf32, #tpu.memory_space<vmem>>
      %dma_start3A_430 = tpu.memref_squeeze %dma_start3A_429 : memref<1x56x64xf32, #tpu.memory_space<vmem>> -> memref<56x64xf32, #tpu.memory_space<vmem>>
      tpu.enqueue_dma source(%dma_start3A_430 : memref<56x64xf32, #tpu.memory_space<vmem>>) target(%dma_start3A_426 : memref<56x64xf32, #tpu.memory_space<hbm>>) target_semaphore(%dma_start3A_419 : memref<!tpu.dma_semaphore, #tpu.memory_space<semaphore_mem>>)
      %dma_wait3A_431 = arith.constant 3 : i32
      %dma_wait3A_432 = arith.constant 3 : i32
      %dma_wait3A_433 = arith.constant 0 : i32
      %dma_wait3A_434 = arith.constant 0 : i32
      %dma_wait3A_435 = tpu.memref_slice %arg6[%dma_wait3A_431, %dma_wait3A_433, %dma_wait3A_434] : memref<8x56x64xf32, #tpu.memory_space<vmem>> -> memref<1x56x64xf32, #tpu.memory_space<vmem>>
      %dma_wait3A_436 = tpu.memref_squeeze %dma_wait3A_435 : memref<1x56x64xf32, #tpu.memory_space<vmem>> -> memref<56x64xf32, #tpu.memory_space<vmem>>
      %dma_wait3A_437 = arith.constant 0 : i32
      %dma_wait3A_438 = arith.constant 0 : i32
      %dma_wait3A_439 = tpu.memref_slice %arg4[%add3A_404, %dma_wait3A_437, %dma_wait3A_438] : memref<4096x56x128xf32, #tpu.memory_space<hbm>> -> memref<1x56x128xf32, #tpu.memory_space<hbm>>
      %dma_wait3A_440 = tpu.memref_squeeze %dma_wait3A_439 : memref<1x56x128xf32, #tpu.memory_space<hbm>> -> memref<56x128xf32, #tpu.memory_space<hbm>>
      %dma_wait3A_441 = arith.constant 0 : i32
      %dma_wait3A_442 = arith.constant 0 : i32
      %dma_wait3A_443 = tpu.memref_slice %dma_wait3A_440[%dma_wait3A_441, %dma_wait3A_442] : memref<56x128xf32, #tpu.memory_space<hbm>> -> memref<56x64xf32, #tpu.memory_space<hbm>>
      %dma_wait3A_444 = tpu.memref_slice %arg8[%dma_wait3A_432] : memref<8x!tpu.dma_semaphore, #tpu.memory_space<semaphore_mem>> -> memref<1x!tpu.dma_semaphore, #tpu.memory_space<semaphore_mem>>
      %dma_wait3A_445 = tpu.memref_squeeze %dma_wait3A_444 : memref<1x!tpu.dma_semaphore, #tpu.memory_space<semaphore_mem>> -> memref<!tpu.dma_semaphore, #tpu.memory_space<semaphore_mem>>
      %dma_wait3A_446 = arith.constant 0 : i32
      %dma_wait3A_447 = arith.constant 0 : i32
      %dma_wait3A_448 = tpu.memref_slice %arg4[%add3A_404, %dma_wait3A_446, %dma_wait3A_447] : memref<4096x56x128xf32, #tpu.memory_space<hbm>> -> memref<1x56x128xf32, #tpu.memory_space<hbm>>
      %dma_wait3A_449 = tpu.memref_squeeze %dma_wait3A_448 : memref<1x56x128xf32, #tpu.memory_space<hbm>> -> memref<56x128xf32, #tpu.memory_space<hbm>>
      %dma_wait3A_450 = arith.constant 0 : i32
      %dma_wait3A_451 = arith.constant 0 : i32
      %dma_wait3A_452 = tpu.memref_slice %dma_wait3A_449[%dma_wait3A_450, %dma_wait3A_451] : memref<56x128xf32, #tpu.memory_space<hbm>> -> memref<56x64xf32, #tpu.memory_space<hbm>>
      %dma_wait3A_453 = arith.constant 0 : i32
      %dma_wait3A_454 = arith.constant 0 : i32
      %dma_wait3A_455 = tpu.memref_slice %arg6[%dma_wait3A_431, %dma_wait3A_453, %dma_wait3A_454] : memref<8x56x64xf32, #tpu.memory_space<vmem>> -> memref<1x56x64xf32, #tpu.memory_space<vmem>>
      %dma_wait3A_456 = tpu.memref_squeeze %dma_wait3A_455 : memref<1x56x64xf32, #tpu.memory_space<vmem>> -> memref<56x64xf32, #tpu.memory_space<vmem>>
      tpu.wait_dma2 semaphore(%dma_wait3A_445 : memref<!tpu.dma_semaphore, #tpu.memory_space<semaphore_mem>>) src(%dma_wait3A_456 : memref<56x64xf32, #tpu.memory_space<vmem>>) dst(%dma_wait3A_452 : memref<56x64xf32, #tpu.memory_space<hbm>>)
      %add3A_457 = arith.constant 8 : i32
      %add3A_458 = arith.addi %add3A_386, %add3A_457 : i32
      %lt3A_459 = arith.constant 128 : i32
      %lt3A_460 = arith.cmpi slt, %add3A_458, %lt3A_459 : i32
      %convert_element_type3A_461 = arith.extui %lt3A_460 : i1 to i32
      %cond3A_462 = arith.constant 0 : i32
      %cond3A_463 = arith.cmpi ne, %convert_element_type3A_461, %cond3A_462 : i32
      scf.if %cond3A_463 {
        %add3A_788 = arith.constant 8 : i32
        %add3A_789 = arith.addi %add3A_386, %add3A_788 : i32
        %dma_start3A_790 = arith.constant 3 : i32
        %dma_start3A_791 = arith.constant 3 : i32
        %dma_start3A_792 = arith.constant 0 : i32
        %dma_start3A_793 = arith.constant 0 : i32
        %dma_start3A_794 = tpu.memref_slice %arg6[%dma_start3A_790, %dma_start3A_792, %dma_start3A_793] : memref<8x56x64xf32, #tpu.memory_space<vmem>> -> memref<1x56x64xf32, #tpu.memory_space<vmem>>
        %dma_start3A_795 = tpu.memref_squeeze %dma_start3A_794 : memref<1x56x64xf32, #tpu.memory_space<vmem>> -> memref<56x64xf32, #tpu.memory_space<vmem>>
        %dma_start3A_796 = arith.constant 0 : i32
        %dma_start3A_797 = tpu.memref_slice %arg5[%add3A_789, %dma_start3A_796] : memref<128x128xi32, #tpu.memory_space<vmem>> -> memref<1x128xi32, #tpu.memory_space<vmem>>
        %dma_start3A_798 = tpu.memref_squeeze %dma_start3A_797 : memref<1x128xi32, #tpu.memory_space<vmem>> -> memref<128xi32, #tpu.memory_space<vmem>>
        %dma_start3A_799 = arith.constant 0 : i32
        %dma_start3A_800 = tpu.memref_slice %dma_start3A_798[%dma_start3A_799] : memref<128xi32, #tpu.memory_space<vmem>> -> memref<56xi32, #tpu.memory_space<vmem>>
        %dma_start3A_801 = arith.constant 0 : i32
        %dma_start3A_802 = arith.constant 0 : i32
        %dma_start3A_803 = tpu.memref_slice %arg3[%dma_start3A_801, %dma_start3A_802] : memref<200002x64xf32, #tpu.memory_space<hbm>> -> memref<200002x64xf32, #tpu.memory_space<hbm>>
        %dma_start3A_804 = tpu.memref_slice %arg7[%dma_start3A_791] : memref<8x!tpu.dma_semaphore, #tpu.memory_space<semaphore_mem>> -> memref<1x!tpu.dma_semaphore, #tpu.memory_space<semaphore_mem>>
        %dma_start3A_805 = tpu.memref_squeeze %dma_start3A_804 : memref<1x!tpu.dma_semaphore, #tpu.memory_space<semaphore_mem>> -> memref<!tpu.dma_semaphore, #tpu.memory_space<semaphore_mem>>
        tpu.enqueue_indirect_dma source(%dma_start3A_803 : memref<200002x64xf32, #tpu.memory_space<hbm>>) target(%dma_start3A_795 : memref<56x64xf32, #tpu.memory_space<vmem>>) offsets(%dma_start3A_800 : memref<56xi32, #tpu.memory_space<vmem>>) semaphore(%dma_start3A_805 : memref<!tpu.dma_semaphore, #tpu.memory_space<semaphore_mem>>)
      } else {
      }
      %mul3A_464 = arith.constant 8 : i32
      %mul3A_465 = arith.muli %scan3A_143, %mul3A_464 : i32
      %add3A_466 = arith.constant 4 : i32
      %add3A_467 = arith.addi %mul3A_465, %add3A_466 : i32
      %dma_wait3A_468 = arith.constant 0 : i32
      %dma_wait3A_469 = arith.constant 4 : i32
      %dma_wait3A_470 = arith.constant 4 : i32
      %dma_wait3A_471 = arith.constant 0 : i32
      %dma_wait3A_472 = arith.constant 0 : i32
      %dma_wait3A_473 = tpu.memref_slice %arg6[%dma_wait3A_469, %dma_wait3A_471, %dma_wait3A_472] : memref<8x56x64xf32, #tpu.memory_space<vmem>> -> memref<1x56x64xf32, #tpu.memory_space<vmem>>
      %dma_wait3A_474 = tpu.memref_squeeze %dma_wait3A_473 : memref<1x56x64xf32, #tpu.memory_space<vmem>> -> memref<56x64xf32, #tpu.memory_space<vmem>>
      %dma_wait3A_475 = arith.constant 0 : i32
      %dma_wait3A_476 = tpu.memref_slice %arg5[%dma_wait3A_468, %dma_wait3A_475] : memref<128x128xi32, #tpu.memory_space<vmem>> -> memref<1x128xi32, #tpu.memory_space<vmem>>
      %dma_wait3A_477 = tpu.memref_squeeze %dma_wait3A_476 : memref<1x128xi32, #tpu.memory_space<vmem>> -> memref<128xi32, #tpu.memory_space<vmem>>
      %dma_wait3A_478 = arith.constant 0 : i32
      %dma_wait3A_479 = tpu.memref_slice %dma_wait3A_477[%dma_wait3A_478] : memref<128xi32, #tpu.memory_space<vmem>> -> memref<56xi32, #tpu.memory_space<vmem>>
      %dma_wait3A_480 = arith.constant 0 : i32
      %dma_wait3A_481 = arith.constant 0 : i32
      %dma_wait3A_482 = tpu.memref_slice %arg3[%dma_wait3A_480, %dma_wait3A_481] : memref<200002x64xf32, #tpu.memory_space<hbm>> -> memref<200002x64xf32, #tpu.memory_space<hbm>>
      %dma_wait3A_483 = tpu.memref_slice %arg7[%dma_wait3A_470] : memref<8x!tpu.dma_semaphore, #tpu.memory_space<semaphore_mem>> -> memref<1x!tpu.dma_semaphore, #tpu.memory_space<semaphore_mem>>
      %dma_wait3A_484 = tpu.memref_squeeze %dma_wait3A_483 : memref<1x!tpu.dma_semaphore, #tpu.memory_space<semaphore_mem>> -> memref<!tpu.dma_semaphore, #tpu.memory_space<semaphore_mem>>
      tpu.wait_indirect_dma semaphore(%dma_wait3A_484 : memref<!tpu.dma_semaphore, #tpu.memory_space<semaphore_mem>>) src(%dma_wait3A_482 : memref<200002x64xf32, #tpu.memory_space<hbm>>) dst(%dma_wait3A_474 : memref<56x64xf32, #tpu.memory_space<vmem>>)
      %add3A_485 = arith.addi %mul3A_2, %add3A_467 : i32
      %dma_start3A_486 = arith.constant 4 : i32
      %dma_start3A_487 = arith.constant 4 : i32
      %dma_start3A_488 = arith.constant 0 : i32
      %dma_start3A_489 = arith.constant 0 : i32
      %dma_start3A_490 = tpu.memref_slice %arg6[%dma_start3A_486, %dma_start3A_488, %dma_start3A_489] : memref<8x56x64xf32, #tpu.memory_space<vmem>> -> memref<1x56x64xf32, #tpu.memory_space<vmem>>
      %dma_start3A_491 = tpu.memref_squeeze %dma_start3A_490 : memref<1x56x64xf32, #tpu.memory_space<vmem>> -> memref<56x64xf32, #tpu.memory_space<vmem>>
      %dma_start3A_492 = arith.constant 0 : i32
      %dma_start3A_493 = arith.constant 0 : i32
      %dma_start3A_494 = tpu.memref_slice %arg4[%add3A_485, %dma_start3A_492, %dma_start3A_493] : memref<4096x56x128xf32, #tpu.memory_space<hbm>> -> memref<1x56x128xf32, #tpu.memory_space<hbm>>
      %dma_start3A_495 = tpu.memref_squeeze %dma_start3A_494 : memref<1x56x128xf32, #tpu.memory_space<hbm>> -> memref<56x128xf32, #tpu.memory_space<hbm>>
      %dma_start3A_496 = arith.constant 0 : i32
      %dma_start3A_497 = arith.constant 0 : i32
      %dma_start3A_498 = tpu.memref_slice %dma_start3A_495[%dma_start3A_496, %dma_start3A_497] : memref<56x128xf32, #tpu.memory_space<hbm>> -> memref<56x64xf32, #tpu.memory_space<hbm>>
      %dma_start3A_499 = tpu.memref_slice %arg8[%dma_start3A_487] : memref<8x!tpu.dma_semaphore, #tpu.memory_space<semaphore_mem>> -> memref<1x!tpu.dma_semaphore, #tpu.memory_space<semaphore_mem>>
      %dma_start3A_500 = tpu.memref_squeeze %dma_start3A_499 : memref<1x!tpu.dma_semaphore, #tpu.memory_space<semaphore_mem>> -> memref<!tpu.dma_semaphore, #tpu.memory_space<semaphore_mem>>
      %dma_start3A_501 = arith.constant 0 : i32
      %dma_start3A_502 = arith.constant 0 : i32
      %dma_start3A_503 = tpu.memref_slice %arg4[%add3A_485, %dma_start3A_501, %dma_start3A_502] : memref<4096x56x128xf32, #tpu.memory_space<hbm>> -> memref<1x56x128xf32, #tpu.memory_space<hbm>>
      %dma_start3A_504 = tpu.memref_squeeze %dma_start3A_503 : memref<1x56x128xf32, #tpu.memory_space<hbm>> -> memref<56x128xf32, #tpu.memory_space<hbm>>
      %dma_start3A_505 = arith.constant 0 : i32
      %dma_start3A_506 = arith.constant 0 : i32
      %dma_start3A_507 = tpu.memref_slice %dma_start3A_504[%dma_start3A_505, %dma_start3A_506] : memref<56x128xf32, #tpu.memory_space<hbm>> -> memref<56x64xf32, #tpu.memory_space<hbm>>
      %dma_start3A_508 = arith.constant 0 : i32
      %dma_start3A_509 = arith.constant 0 : i32
      %dma_start3A_510 = tpu.memref_slice %arg6[%dma_start3A_486, %dma_start3A_508, %dma_start3A_509] : memref<8x56x64xf32, #tpu.memory_space<vmem>> -> memref<1x56x64xf32, #tpu.memory_space<vmem>>
      %dma_start3A_511 = tpu.memref_squeeze %dma_start3A_510 : memref<1x56x64xf32, #tpu.memory_space<vmem>> -> memref<56x64xf32, #tpu.memory_space<vmem>>
      tpu.enqueue_dma source(%dma_start3A_511 : memref<56x64xf32, #tpu.memory_space<vmem>>) target(%dma_start3A_507 : memref<56x64xf32, #tpu.memory_space<hbm>>) target_semaphore(%dma_start3A_500 : memref<!tpu.dma_semaphore, #tpu.memory_space<semaphore_mem>>)
      %dma_wait3A_512 = arith.constant 4 : i32
      %dma_wait3A_513 = arith.constant 4 : i32
      %dma_wait3A_514 = arith.constant 0 : i32
      %dma_wait3A_515 = arith.constant 0 : i32
      %dma_wait3A_516 = tpu.memref_slice %arg6[%dma_wait3A_512, %dma_wait3A_514, %dma_wait3A_515] : memref<8x56x64xf32, #tpu.memory_space<vmem>> -> memref<1x56x64xf32, #tpu.memory_space<vmem>>
      %dma_wait3A_517 = tpu.memref_squeeze %dma_wait3A_516 : memref<1x56x64xf32, #tpu.memory_space<vmem>> -> memref<56x64xf32, #tpu.memory_space<vmem>>
      %dma_wait3A_518 = arith.constant 0 : i32
      %dma_wait3A_519 = arith.constant 0 : i32
      %dma_wait3A_520 = tpu.memref_slice %arg4[%add3A_485, %dma_wait3A_518, %dma_wait3A_519] : memref<4096x56x128xf32, #tpu.memory_space<hbm>> -> memref<1x56x128xf32, #tpu.memory_space<hbm>>
      %dma_wait3A_521 = tpu.memref_squeeze %dma_wait3A_520 : memref<1x56x128xf32, #tpu.memory_space<hbm>> -> memref<56x128xf32, #tpu.memory_space<hbm>>
      %dma_wait3A_522 = arith.constant 0 : i32
      %dma_wait3A_523 = arith.constant 0 : i32
      %dma_wait3A_524 = tpu.memref_slice %dma_wait3A_521[%dma_wait3A_522, %dma_wait3A_523] : memref<56x128xf32, #tpu.memory_space<hbm>> -> memref<56x64xf32, #tpu.memory_space<hbm>>
      %dma_wait3A_525 = tpu.memref_slice %arg8[%dma_wait3A_513] : memref<8x!tpu.dma_semaphore, #tpu.memory_space<semaphore_mem>> -> memref<1x!tpu.dma_semaphore, #tpu.memory_space<semaphore_mem>>
      %dma_wait3A_526 = tpu.memref_squeeze %dma_wait3A_525 : memref<1x!tpu.dma_semaphore, #tpu.memory_space<semaphore_mem>> -> memref<!tpu.dma_semaphore, #tpu.memory_space<semaphore_mem>>
      %dma_wait3A_527 = arith.constant 0 : i32
      %dma_wait3A_528 = arith.constant 0 : i32
      %dma_wait3A_529 = tpu.memref_slice %arg4[%add3A_485, %dma_wait3A_527, %dma_wait3A_528] : memref<4096x56x128xf32, #tpu.memory_space<hbm>> -> memref<1x56x128xf32, #tpu.memory_space<hbm>>
      %dma_wait3A_530 = tpu.memref_squeeze %dma_wait3A_529 : memref<1x56x128xf32, #tpu.memory_space<hbm>> -> memref<56x128xf32, #tpu.memory_space<hbm>>
      %dma_wait3A_531 = arith.constant 0 : i32
      %dma_wait3A_532 = arith.constant 0 : i32
      %dma_wait3A_533 = tpu.memref_slice %dma_wait3A_530[%dma_wait3A_531, %dma_wait3A_532] : memref<56x128xf32, #tpu.memory_space<hbm>> -> memref<56x64xf32, #tpu.memory_space<hbm>>
      %dma_wait3A_534 = arith.constant 0 : i32
      %dma_wait3A_535 = arith.constant 0 : i32
      %dma_wait3A_536 = tpu.memref_slice %arg6[%dma_wait3A_512, %dma_wait3A_534, %dma_wait3A_535] : memref<8x56x64xf32, #tpu.memory_space<vmem>> -> memref<1x56x64xf32, #tpu.memory_space<vmem>>
      %dma_wait3A_537 = tpu.memref_squeeze %dma_wait3A_536 : memref<1x56x64xf32, #tpu.memory_space<vmem>> -> memref<56x64xf32, #tpu.memory_space<vmem>>
      tpu.wait_dma2 semaphore(%dma_wait3A_526 : memref<!tpu.dma_semaphore, #tpu.memory_space<semaphore_mem>>) src(%dma_wait3A_537 : memref<56x64xf32, #tpu.memory_space<vmem>>) dst(%dma_wait3A_533 : memref<56x64xf32, #tpu.memory_space<hbm>>)
      %add3A_538 = arith.constant 8 : i32
      %add3A_539 = arith.addi %add3A_467, %add3A_538 : i32
      %lt3A_540 = arith.constant 128 : i32
      %lt3A_541 = arith.cmpi slt, %add3A_539, %lt3A_540 : i32
      %convert_element_type3A_542 = arith.extui %lt3A_541 : i1 to i32
      %cond3A_543 = arith.constant 0 : i32
      %cond3A_544 = arith.cmpi ne, %convert_element_type3A_542, %cond3A_543 : i32
      scf.if %cond3A_544 {
        %add3A_788 = arith.constant 8 : i32
        %add3A_789 = arith.addi %add3A_467, %add3A_788 : i32
        %dma_start3A_790 = arith.constant 4 : i32
        %dma_start3A_791 = arith.constant 4 : i32
        %dma_start3A_792 = arith.constant 0 : i32
        %dma_start3A_793 = arith.constant 0 : i32
        %dma_start3A_794 = tpu.memref_slice %arg6[%dma_start3A_790, %dma_start3A_792, %dma_start3A_793] : memref<8x56x64xf32, #tpu.memory_space<vmem>> -> memref<1x56x64xf32, #tpu.memory_space<vmem>>
        %dma_start3A_795 = tpu.memref_squeeze %dma_start3A_794 : memref<1x56x64xf32, #tpu.memory_space<vmem>> -> memref<56x64xf32, #tpu.memory_space<vmem>>
        %dma_start3A_796 = arith.constant 0 : i32
        %dma_start3A_797 = tpu.memref_slice %arg5[%add3A_789, %dma_start3A_796] : memref<128x128xi32, #tpu.memory_space<vmem>> -> memref<1x128xi32, #tpu.memory_space<vmem>>
        %dma_start3A_798 = tpu.memref_squeeze %dma_start3A_797 : memref<1x128xi32, #tpu.memory_space<vmem>> -> memref<128xi32, #tpu.memory_space<vmem>>
        %dma_start3A_799 = arith.constant 0 : i32
        %dma_start3A_800 = tpu.memref_slice %dma_start3A_798[%dma_start3A_799] : memref<128xi32, #tpu.memory_space<vmem>> -> memref<56xi32, #tpu.memory_space<vmem>>
        %dma_start3A_801 = arith.constant 0 : i32
        %dma_start3A_802 = arith.constant 0 : i32
        %dma_start3A_803 = tpu.memref_slice %arg3[%dma_start3A_801, %dma_start3A_802] : memref<200002x64xf32, #tpu.memory_space<hbm>> -> memref<200002x64xf32, #tpu.memory_space<hbm>>
        %dma_start3A_804 = tpu.memref_slice %arg7[%dma_start3A_791] : memref<8x!tpu.dma_semaphore, #tpu.memory_space<semaphore_mem>> -> memref<1x!tpu.dma_semaphore, #tpu.memory_space<semaphore_mem>>
        %dma_start3A_805 = tpu.memref_squeeze %dma_start3A_804 : memref<1x!tpu.dma_semaphore, #tpu.memory_space<semaphore_mem>> -> memref<!tpu.dma_semaphore, #tpu.memory_space<semaphore_mem>>
        tpu.enqueue_indirect_dma source(%dma_start3A_803 : memref<200002x64xf32, #tpu.memory_space<hbm>>) target(%dma_start3A_795 : memref<56x64xf32, #tpu.memory_space<vmem>>) offsets(%dma_start3A_800 : memref<56xi32, #tpu.memory_space<vmem>>) semaphore(%dma_start3A_805 : memref<!tpu.dma_semaphore, #tpu.memory_space<semaphore_mem>>)
      } else {
      }
      %mul3A_545 = arith.constant 8 : i32
      %mul3A_546 = arith.muli %scan3A_143, %mul3A_545 : i32
      %add3A_547 = arith.constant 5 : i32
      %add3A_548 = arith.addi %mul3A_546, %add3A_547 : i32
      %dma_wait3A_549 = arith.constant 0 : i32
      %dma_wait3A_550 = arith.constant 5 : i32
      %dma_wait3A_551 = arith.constant 5 : i32
      %dma_wait3A_552 = arith.constant 0 : i32
      %dma_wait3A_553 = arith.constant 0 : i32
      %dma_wait3A_554 = tpu.memref_slice %arg6[%dma_wait3A_550, %dma_wait3A_552, %dma_wait3A_553] : memref<8x56x64xf32, #tpu.memory_space<vmem>> -> memref<1x56x64xf32, #tpu.memory_space<vmem>>
      %dma_wait3A_555 = tpu.memref_squeeze %dma_wait3A_554 : memref<1x56x64xf32, #tpu.memory_space<vmem>> -> memref<56x64xf32, #tpu.memory_space<vmem>>
      %dma_wait3A_556 = arith.constant 0 : i32
      %dma_wait3A_557 = tpu.memref_slice %arg5[%dma_wait3A_549, %dma_wait3A_556] : memref<128x128xi32, #tpu.memory_space<vmem>> -> memref<1x128xi32, #tpu.memory_space<vmem>>
      %dma_wait3A_558 = tpu.memref_squeeze %dma_wait3A_557 : memref<1x128xi32, #tpu.memory_space<vmem>> -> memref<128xi32, #tpu.memory_space<vmem>>
      %dma_wait3A_559 = arith.constant 0 : i32
      %dma_wait3A_560 = tpu.memref_slice %dma_wait3A_558[%dma_wait3A_559] : memref<128xi32, #tpu.memory_space<vmem>> -> memref<56xi32, #tpu.memory_space<vmem>>
      %dma_wait3A_561 = arith.constant 0 : i32
      %dma_wait3A_562 = arith.constant 0 : i32
      %dma_wait3A_563 = tpu.memref_slice %arg3[%dma_wait3A_561, %dma_wait3A_562] : memref<200002x64xf32, #tpu.memory_space<hbm>> -> memref<200002x64xf32, #tpu.memory_space<hbm>>
      %dma_wait3A_564 = tpu.memref_slice %arg7[%dma_wait3A_551] : memref<8x!tpu.dma_semaphore, #tpu.memory_space<semaphore_mem>> -> memref<1x!tpu.dma_semaphore, #tpu.memory_space<semaphore_mem>>
      %dma_wait3A_565 = tpu.memref_squeeze %dma_wait3A_564 : memref<1x!tpu.dma_semaphore, #tpu.memory_space<semaphore_mem>> -> memref<!tpu.dma_semaphore, #tpu.memory_space<semaphore_mem>>
      tpu.wait_indirect_dma semaphore(%dma_wait3A_565 : memref<!tpu.dma_semaphore, #tpu.memory_space<semaphore_mem>>) src(%dma_wait3A_563 : memref<200002x64xf32, #tpu.memory_space<hbm>>) dst(%dma_wait3A_555 : memref<56x64xf32, #tpu.memory_space<vmem>>)
      %add3A_566 = arith.addi %mul3A_2, %add3A_548 : i32
      %dma_start3A_567 = arith.constant 5 : i32
      %dma_start3A_568 = arith.constant 5 : i32
      %dma_start3A_569 = arith.constant 0 : i32
      %dma_start3A_570 = arith.constant 0 : i32
      %dma_start3A_571 = tpu.memref_slice %arg6[%dma_start3A_567, %dma_start3A_569, %dma_start3A_570] : memref<8x56x64xf32, #tpu.memory_space<vmem>> -> memref<1x56x64xf32, #tpu.memory_space<vmem>>
      %dma_start3A_572 = tpu.memref_squeeze %dma_start3A_571 : memref<1x56x64xf32, #tpu.memory_space<vmem>> -> memref<56x64xf32, #tpu.memory_space<vmem>>
      %dma_start3A_573 = arith.constant 0 : i32
      %dma_start3A_574 = arith.constant 0 : i32
      %dma_start3A_575 = tpu.memref_slice %arg4[%add3A_566, %dma_start3A_573, %dma_start3A_574] : memref<4096x56x128xf32, #tpu.memory_space<hbm>> -> memref<1x56x128xf32, #tpu.memory_space<hbm>>
      %dma_start3A_576 = tpu.memref_squeeze %dma_start3A_575 : memref<1x56x128xf32, #tpu.memory_space<hbm>> -> memref<56x128xf32, #tpu.memory_space<hbm>>
      %dma_start3A_577 = arith.constant 0 : i32
      %dma_start3A_578 = arith.constant 0 : i32
      %dma_start3A_579 = tpu.memref_slice %dma_start3A_576[%dma_start3A_577, %dma_start3A_578] : memref<56x128xf32, #tpu.memory_space<hbm>> -> memref<56x64xf32, #tpu.memory_space<hbm>>
      %dma_start3A_580 = tpu.memref_slice %arg8[%dma_start3A_568] : memref<8x!tpu.dma_semaphore, #tpu.memory_space<semaphore_mem>> -> memref<1x!tpu.dma_semaphore, #tpu.memory_space<semaphore_mem>>
      %dma_start3A_581 = tpu.memref_squeeze %dma_start3A_580 : memref<1x!tpu.dma_semaphore, #tpu.memory_space<semaphore_mem>> -> memref<!tpu.dma_semaphore, #tpu.memory_space<semaphore_mem>>
      %dma_start3A_582 = arith.constant 0 : i32
      %dma_start3A_583 = arith.constant 0 : i32
      %dma_start3A_584 = tpu.memref_slice %arg4[%add3A_566, %dma_start3A_582, %dma_start3A_583] : memref<4096x56x128xf32, #tpu.memory_space<hbm>> -> memref<1x56x128xf32, #tpu.memory_space<hbm>>
      %dma_start3A_585 = tpu.memref_squeeze %dma_start3A_584 : memref<1x56x128xf32, #tpu.memory_space<hbm>> -> memref<56x128xf32, #tpu.memory_space<hbm>>
      %dma_start3A_586 = arith.constant 0 : i32
      %dma_start3A_587 = arith.constant 0 : i32
      %dma_start3A_588 = tpu.memref_slice %dma_start3A_585[%dma_start3A_586, %dma_start3A_587] : memref<56x128xf32, #tpu.memory_space<hbm>> -> memref<56x64xf32, #tpu.memory_space<hbm>>
      %dma_start3A_589 = arith.constant 0 : i32
      %dma_start3A_590 = arith.constant 0 : i32
      %dma_start3A_591 = tpu.memref_slice %arg6[%dma_start3A_567, %dma_start3A_589, %dma_start3A_590] : memref<8x56x64xf32, #tpu.memory_space<vmem>> -> memref<1x56x64xf32, #tpu.memory_space<vmem>>
      %dma_start3A_592 = tpu.memref_squeeze %dma_start3A_591 : memref<1x56x64xf32, #tpu.memory_space<vmem>> -> memref<56x64xf32, #tpu.memory_space<vmem>>
      tpu.enqueue_dma source(%dma_start3A_592 : memref<56x64xf32, #tpu.memory_space<vmem>>) target(%dma_start3A_588 : memref<56x64xf32, #tpu.memory_space<hbm>>) target_semaphore(%dma_start3A_581 : memref<!tpu.dma_semaphore, #tpu.memory_space<semaphore_mem>>)
      %dma_wait3A_593 = arith.constant 5 : i32
      %dma_wait3A_594 = arith.constant 5 : i32
      %dma_wait3A_595 = arith.constant 0 : i32
      %dma_wait3A_596 = arith.constant 0 : i32
      %dma_wait3A_597 = tpu.memref_slice %arg6[%dma_wait3A_593, %dma_wait3A_595, %dma_wait3A_596] : memref<8x56x64xf32, #tpu.memory_space<vmem>> -> memref<1x56x64xf32, #tpu.memory_space<vmem>>
      %dma_wait3A_598 = tpu.memref_squeeze %dma_wait3A_597 : memref<1x56x64xf32, #tpu.memory_space<vmem>> -> memref<56x64xf32, #tpu.memory_space<vmem>>
      %dma_wait3A_599 = arith.constant 0 : i32
      %dma_wait3A_600 = arith.constant 0 : i32
      %dma_wait3A_601 = tpu.memref_slice %arg4[%add3A_566, %dma_wait3A_599, %dma_wait3A_600] : memref<4096x56x128xf32, #tpu.memory_space<hbm>> -> memref<1x56x128xf32, #tpu.memory_space<hbm>>
      %dma_wait3A_602 = tpu.memref_squeeze %dma_wait3A_601 : memref<1x56x128xf32, #tpu.memory_space<hbm>> -> memref<56x128xf32, #tpu.memory_space<hbm>>
      %dma_wait3A_603 = arith.constant 0 : i32
      %dma_wait3A_604 = arith.constant 0 : i32
      %dma_wait3A_605 = tpu.memref_slice %dma_wait3A_602[%dma_wait3A_603, %dma_wait3A_604] : memref<56x128xf32, #tpu.memory_space<hbm>> -> memref<56x64xf32, #tpu.memory_space<hbm>>
      %dma_wait3A_606 = tpu.memref_slice %arg8[%dma_wait3A_594] : memref<8x!tpu.dma_semaphore, #tpu.memory_space<semaphore_mem>> -> memref<1x!tpu.dma_semaphore, #tpu.memory_space<semaphore_mem>>
      %dma_wait3A_607 = tpu.memref_squeeze %dma_wait3A_606 : memref<1x!tpu.dma_semaphore, #tpu.memory_space<semaphore_mem>> -> memref<!tpu.dma_semaphore, #tpu.memory_space<semaphore_mem>>
      %dma_wait3A_608 = arith.constant 0 : i32
      %dma_wait3A_609 = arith.constant 0 : i32
      %dma_wait3A_610 = tpu.memref_slice %arg4[%add3A_566, %dma_wait3A_608, %dma_wait3A_609] : memref<4096x56x128xf32, #tpu.memory_space<hbm>> -> memref<1x56x128xf32, #tpu.memory_space<hbm>>
      %dma_wait3A_611 = tpu.memref_squeeze %dma_wait3A_610 : memref<1x56x128xf32, #tpu.memory_space<hbm>> -> memref<56x128xf32, #tpu.memory_space<hbm>>
      %dma_wait3A_612 = arith.constant 0 : i32
      %dma_wait3A_613 = arith.constant 0 : i32
      %dma_wait3A_614 = tpu.memref_slice %dma_wait3A_611[%dma_wait3A_612, %dma_wait3A_613] : memref<56x128xf32, #tpu.memory_space<hbm>> -> memref<56x64xf32, #tpu.memory_space<hbm>>
      %dma_wait3A_615 = arith.constant 0 : i32
      %dma_wait3A_616 = arith.constant 0 : i32
      %dma_wait3A_617 = tpu.memref_slice %arg6[%dma_wait3A_593, %dma_wait3A_615, %dma_wait3A_616] : memref<8x56x64xf32, #tpu.memory_space<vmem>> -> memref<1x56x64xf32, #tpu.memory_space<vmem>>
      %dma_wait3A_618 = tpu.memref_squeeze %dma_wait3A_617 : memref<1x56x64xf32, #tpu.memory_space<vmem>> -> memref<56x64xf32, #tpu.memory_space<vmem>>
      tpu.wait_dma2 semaphore(%dma_wait3A_607 : memref<!tpu.dma_semaphore, #tpu.memory_space<semaphore_mem>>) src(%dma_wait3A_618 : memref<56x64xf32, #tpu.memory_space<vmem>>) dst(%dma_wait3A_614 : memref<56x64xf32, #tpu.memory_space<hbm>>)
      %add3A_619 = arith.constant 8 : i32
      %add3A_620 = arith.addi %add3A_548, %add3A_619 : i32
      %lt3A_621 = arith.constant 128 : i32
      %lt3A_622 = arith.cmpi slt, %add3A_620, %lt3A_621 : i32
      %convert_element_type3A_623 = arith.extui %lt3A_622 : i1 to i32
      %cond3A_624 = arith.constant 0 : i32
      %cond3A_625 = arith.cmpi ne, %convert_element_type3A_623, %cond3A_624 : i32
      scf.if %cond3A_625 {
        %add3A_788 = arith.constant 8 : i32
        %add3A_789 = arith.addi %add3A_548, %add3A_788 : i32
        %dma_start3A_790 = arith.constant 5 : i32
        %dma_start3A_791 = arith.constant 5 : i32
        %dma_start3A_792 = arith.constant 0 : i32
        %dma_start3A_793 = arith.constant 0 : i32
        %dma_start3A_794 = tpu.memref_slice %arg6[%dma_start3A_790, %dma_start3A_792, %dma_start3A_793] : memref<8x56x64xf32, #tpu.memory_space<vmem>> -> memref<1x56x64xf32, #tpu.memory_space<vmem>>
        %dma_start3A_795 = tpu.memref_squeeze %dma_start3A_794 : memref<1x56x64xf32, #tpu.memory_space<vmem>> -> memref<56x64xf32, #tpu.memory_space<vmem>>
        %dma_start3A_796 = arith.constant 0 : i32
        %dma_start3A_797 = tpu.memref_slice %arg5[%add3A_789, %dma_start3A_796] : memref<128x128xi32, #tpu.memory_space<vmem>> -> memref<1x128xi32, #tpu.memory_space<vmem>>
        %dma_start3A_798 = tpu.memref_squeeze %dma_start3A_797 : memref<1x128xi32, #tpu.memory_space<vmem>> -> memref<128xi32, #tpu.memory_space<vmem>>
        %dma_start3A_799 = arith.constant 0 : i32
        %dma_start3A_800 = tpu.memref_slice %dma_start3A_798[%dma_start3A_799] : memref<128xi32, #tpu.memory_space<vmem>> -> memref<56xi32, #tpu.memory_space<vmem>>
        %dma_start3A_801 = arith.constant 0 : i32
        %dma_start3A_802 = arith.constant 0 : i32
        %dma_start3A_803 = tpu.memref_slice %arg3[%dma_start3A_801, %dma_start3A_802] : memref<200002x64xf32, #tpu.memory_space<hbm>> -> memref<200002x64xf32, #tpu.memory_space<hbm>>
        %dma_start3A_804 = tpu.memref_slice %arg7[%dma_start3A_791] : memref<8x!tpu.dma_semaphore, #tpu.memory_space<semaphore_mem>> -> memref<1x!tpu.dma_semaphore, #tpu.memory_space<semaphore_mem>>
        %dma_start3A_805 = tpu.memref_squeeze %dma_start3A_804 : memref<1x!tpu.dma_semaphore, #tpu.memory_space<semaphore_mem>> -> memref<!tpu.dma_semaphore, #tpu.memory_space<semaphore_mem>>
        tpu.enqueue_indirect_dma source(%dma_start3A_803 : memref<200002x64xf32, #tpu.memory_space<hbm>>) target(%dma_start3A_795 : memref<56x64xf32, #tpu.memory_space<vmem>>) offsets(%dma_start3A_800 : memref<56xi32, #tpu.memory_space<vmem>>) semaphore(%dma_start3A_805 : memref<!tpu.dma_semaphore, #tpu.memory_space<semaphore_mem>>)
      } else {
      }
      %mul3A_626 = arith.constant 8 : i32
      %mul3A_627 = arith.muli %scan3A_143, %mul3A_626 : i32
      %add3A_628 = arith.constant 6 : i32
      %add3A_629 = arith.addi %mul3A_627, %add3A_628 : i32
      %dma_wait3A_630 = arith.constant 0 : i32
      %dma_wait3A_631 = arith.constant 6 : i32
      %dma_wait3A_632 = arith.constant 6 : i32
      %dma_wait3A_633 = arith.constant 0 : i32
      %dma_wait3A_634 = arith.constant 0 : i32
      %dma_wait3A_635 = tpu.memref_slice %arg6[%dma_wait3A_631, %dma_wait3A_633, %dma_wait3A_634] : memref<8x56x64xf32, #tpu.memory_space<vmem>> -> memref<1x56x64xf32, #tpu.memory_space<vmem>>
      %dma_wait3A_636 = tpu.memref_squeeze %dma_wait3A_635 : memref<1x56x64xf32, #tpu.memory_space<vmem>> -> memref<56x64xf32, #tpu.memory_space<vmem>>
      %dma_wait3A_637 = arith.constant 0 : i32
      %dma_wait3A_638 = tpu.memref_slice %arg5[%dma_wait3A_630, %dma_wait3A_637] : memref<128x128xi32, #tpu.memory_space<vmem>> -> memref<1x128xi32, #tpu.memory_space<vmem>>
      %dma_wait3A_639 = tpu.memref_squeeze %dma_wait3A_638 : memref<1x128xi32, #tpu.memory_space<vmem>> -> memref<128xi32, #tpu.memory_space<vmem>>
      %dma_wait3A_640 = arith.constant 0 : i32
      %dma_wait3A_641 = tpu.memref_slice %dma_wait3A_639[%dma_wait3A_640] : memref<128xi32, #tpu.memory_space<vmem>> -> memref<56xi32, #tpu.memory_space<vmem>>
      %dma_wait3A_642 = arith.constant 0 : i32
      %dma_wait3A_643 = arith.constant 0 : i32
      %dma_wait3A_644 = tpu.memref_slice %arg3[%dma_wait3A_642, %dma_wait3A_643] : memref<200002x64xf32, #tpu.memory_space<hbm>> -> memref<200002x64xf32, #tpu.memory_space<hbm>>
      %dma_wait3A_645 = tpu.memref_slice %arg7[%dma_wait3A_632] : memref<8x!tpu.dma_semaphore, #tpu.memory_space<semaphore_mem>> -> memref<1x!tpu.dma_semaphore, #tpu.memory_space<semaphore_mem>>
      %dma_wait3A_646 = tpu.memref_squeeze %dma_wait3A_645 : memref<1x!tpu.dma_semaphore, #tpu.memory_space<semaphore_mem>> -> memref<!tpu.dma_semaphore, #tpu.memory_space<semaphore_mem>>
      tpu.wait_indirect_dma semaphore(%dma_wait3A_646 : memref<!tpu.dma_semaphore, #tpu.memory_space<semaphore_mem>>) src(%dma_wait3A_644 : memref<200002x64xf32, #tpu.memory_space<hbm>>) dst(%dma_wait3A_636 : memref<56x64xf32, #tpu.memory_space<vmem>>)
      %add3A_647 = arith.addi %mul3A_2, %add3A_629 : i32
      %dma_start3A_648 = arith.constant 6 : i32
      %dma_start3A_649 = arith.constant 6 : i32
      %dma_start3A_650 = arith.constant 0 : i32
      %dma_start3A_651 = arith.constant 0 : i32
      %dma_start3A_652 = tpu.memref_slice %arg6[%dma_start3A_648, %dma_start3A_650, %dma_start3A_651] : memref<8x56x64xf32, #tpu.memory_space<vmem>> -> memref<1x56x64xf32, #tpu.memory_space<vmem>>
      %dma_start3A_653 = tpu.memref_squeeze %dma_start3A_652 : memref<1x56x64xf32, #tpu.memory_space<vmem>> -> memref<56x64xf32, #tpu.memory_space<vmem>>
      %dma_start3A_654 = arith.constant 0 : i32
      %dma_start3A_655 = arith.constant 0 : i32
      %dma_start3A_656 = tpu.memref_slice %arg4[%add3A_647, %dma_start3A_654, %dma_start3A_655] : memref<4096x56x128xf32, #tpu.memory_space<hbm>> -> memref<1x56x128xf32, #tpu.memory_space<hbm>>
      %dma_start3A_657 = tpu.memref_squeeze %dma_start3A_656 : memref<1x56x128xf32, #tpu.memory_space<hbm>> -> memref<56x128xf32, #tpu.memory_space<hbm>>
      %dma_start3A_658 = arith.constant 0 : i32
      %dma_start3A_659 = arith.constant 0 : i32
      %dma_start3A_660 = tpu.memref_slice %dma_start3A_657[%dma_start3A_658, %dma_start3A_659] : memref<56x128xf32, #tpu.memory_space<hbm>> -> memref<56x64xf32, #tpu.memory_space<hbm>>
      %dma_start3A_661 = tpu.memref_slice %arg8[%dma_start3A_649] : memref<8x!tpu.dma_semaphore, #tpu.memory_space<semaphore_mem>> -> memref<1x!tpu.dma_semaphore, #tpu.memory_space<semaphore_mem>>
      %dma_start3A_662 = tpu.memref_squeeze %dma_start3A_661 : memref<1x!tpu.dma_semaphore, #tpu.memory_space<semaphore_mem>> -> memref<!tpu.dma_semaphore, #tpu.memory_space<semaphore_mem>>
      %dma_start3A_663 = arith.constant 0 : i32
      %dma_start3A_664 = arith.constant 0 : i32
      %dma_start3A_665 = tpu.memref_slice %arg4[%add3A_647, %dma_start3A_663, %dma_start3A_664] : memref<4096x56x128xf32, #tpu.memory_space<hbm>> -> memref<1x56x128xf32, #tpu.memory_space<hbm>>
      %dma_start3A_666 = tpu.memref_squeeze %dma_start3A_665 : memref<1x56x128xf32, #tpu.memory_space<hbm>> -> memref<56x128xf32, #tpu.memory_space<hbm>>
      %dma_start3A_667 = arith.constant 0 : i32
      %dma_start3A_668 = arith.constant 0 : i32
      %dma_start3A_669 = tpu.memref_slice %dma_start3A_666[%dma_start3A_667, %dma_start3A_668] : memref<56x128xf32, #tpu.memory_space<hbm>> -> memref<56x64xf32, #tpu.memory_space<hbm>>
      %dma_start3A_670 = arith.constant 0 : i32
      %dma_start3A_671 = arith.constant 0 : i32
      %dma_start3A_672 = tpu.memref_slice %arg6[%dma_start3A_648, %dma_start3A_670, %dma_start3A_671] : memref<8x56x64xf32, #tpu.memory_space<vmem>> -> memref<1x56x64xf32, #tpu.memory_space<vmem>>
      %dma_start3A_673 = tpu.memref_squeeze %dma_start3A_672 : memref<1x56x64xf32, #tpu.memory_space<vmem>> -> memref<56x64xf32, #tpu.memory_space<vmem>>
      tpu.enqueue_dma source(%dma_start3A_673 : memref<56x64xf32, #tpu.memory_space<vmem>>) target(%dma_start3A_669 : memref<56x64xf32, #tpu.memory_space<hbm>>) target_semaphore(%dma_start3A_662 : memref<!tpu.dma_semaphore, #tpu.memory_space<semaphore_mem>>)
      %dma_wait3A_674 = arith.constant 6 : i32
      %dma_wait3A_675 = arith.constant 6 : i32
      %dma_wait3A_676 = arith.constant 0 : i32
      %dma_wait3A_677 = arith.constant 0 : i32
      %dma_wait3A_678 = tpu.memref_slice %arg6[%dma_wait3A_674, %dma_wait3A_676, %dma_wait3A_677] : memref<8x56x64xf32, #tpu.memory_space<vmem>> -> memref<1x56x64xf32, #tpu.memory_space<vmem>>
      %dma_wait3A_679 = tpu.memref_squeeze %dma_wait3A_678 : memref<1x56x64xf32, #tpu.memory_space<vmem>> -> memref<56x64xf32, #tpu.memory_space<vmem>>
      %dma_wait3A_680 = arith.constant 0 : i32
      %dma_wait3A_681 = arith.constant 0 : i32
      %dma_wait3A_682 = tpu.memref_slice %arg4[%add3A_647, %dma_wait3A_680, %dma_wait3A_681] : memref<4096x56x128xf32, #tpu.memory_space<hbm>> -> memref<1x56x128xf32, #tpu.memory_space<hbm>>
      %dma_wait3A_683 = tpu.memref_squeeze %dma_wait3A_682 : memref<1x56x128xf32, #tpu.memory_space<hbm>> -> memref<56x128xf32, #tpu.memory_space<hbm>>
      %dma_wait3A_684 = arith.constant 0 : i32
      %dma_wait3A_685 = arith.constant 0 : i32
      %dma_wait3A_686 = tpu.memref_slice %dma_wait3A_683[%dma_wait3A_684, %dma_wait3A_685] : memref<56x128xf32, #tpu.memory_space<hbm>> -> memref<56x64xf32, #tpu.memory_space<hbm>>
      %dma_wait3A_687 = tpu.memref_slice %arg8[%dma_wait3A_675] : memref<8x!tpu.dma_semaphore, #tpu.memory_space<semaphore_mem>> -> memref<1x!tpu.dma_semaphore, #tpu.memory_space<semaphore_mem>>
      %dma_wait3A_688 = tpu.memref_squeeze %dma_wait3A_687 : memref<1x!tpu.dma_semaphore, #tpu.memory_space<semaphore_mem>> -> memref<!tpu.dma_semaphore, #tpu.memory_space<semaphore_mem>>
      %dma_wait3A_689 = arith.constant 0 : i32
      %dma_wait3A_690 = arith.constant 0 : i32
      %dma_wait3A_691 = tpu.memref_slice %arg4[%add3A_647, %dma_wait3A_689, %dma_wait3A_690] : memref<4096x56x128xf32, #tpu.memory_space<hbm>> -> memref<1x56x128xf32, #tpu.memory_space<hbm>>
      %dma_wait3A_692 = tpu.memref_squeeze %dma_wait3A_691 : memref<1x56x128xf32, #tpu.memory_space<hbm>> -> memref<56x128xf32, #tpu.memory_space<hbm>>
      %dma_wait3A_693 = arith.constant 0 : i32
      %dma_wait3A_694 = arith.constant 0 : i32
      %dma_wait3A_695 = tpu.memref_slice %dma_wait3A_692[%dma_wait3A_693, %dma_wait3A_694] : memref<56x128xf32, #tpu.memory_space<hbm>> -> memref<56x64xf32, #tpu.memory_space<hbm>>
      %dma_wait3A_696 = arith.constant 0 : i32
      %dma_wait3A_697 = arith.constant 0 : i32
      %dma_wait3A_698 = tpu.memref_slice %arg6[%dma_wait3A_674, %dma_wait3A_696, %dma_wait3A_697] : memref<8x56x64xf32, #tpu.memory_space<vmem>> -> memref<1x56x64xf32, #tpu.memory_space<vmem>>
      %dma_wait3A_699 = tpu.memref_squeeze %dma_wait3A_698 : memref<1x56x64xf32, #tpu.memory_space<vmem>> -> memref<56x64xf32, #tpu.memory_space<vmem>>
      tpu.wait_dma2 semaphore(%dma_wait3A_688 : memref<!tpu.dma_semaphore, #tpu.memory_space<semaphore_mem>>) src(%dma_wait3A_699 : memref<56x64xf32, #tpu.memory_space<vmem>>) dst(%dma_wait3A_695 : memref<56x64xf32, #tpu.memory_space<hbm>>)
      %add3A_700 = arith.constant 8 : i32
      %add3A_701 = arith.addi %add3A_629, %add3A_700 : i32
      %lt3A_702 = arith.constant 128 : i32
      %lt3A_703 = arith.cmpi slt, %add3A_701, %lt3A_702 : i32
      %convert_element_type3A_704 = arith.extui %lt3A_703 : i1 to i32
      %cond3A_705 = arith.constant 0 : i32
      %cond3A_706 = arith.cmpi ne, %convert_element_type3A_704, %cond3A_705 : i32
      scf.if %cond3A_706 {
        %add3A_788 = arith.constant 8 : i32
        %add3A_789 = arith.addi %add3A_629, %add3A_788 : i32
        %dma_start3A_790 = arith.constant 6 : i32
        %dma_start3A_791 = arith.constant 6 : i32
        %dma_start3A_792 = arith.constant 0 : i32
        %dma_start3A_793 = arith.constant 0 : i32
        %dma_start3A_794 = tpu.memref_slice %arg6[%dma_start3A_790, %dma_start3A_792, %dma_start3A_793] : memref<8x56x64xf32, #tpu.memory_space<vmem>> -> memref<1x56x64xf32, #tpu.memory_space<vmem>>
        %dma_start3A_795 = tpu.memref_squeeze %dma_start3A_794 : memref<1x56x64xf32, #tpu.memory_space<vmem>> -> memref<56x64xf32, #tpu.memory_space<vmem>>
        %dma_start3A_796 = arith.constant 0 : i32
        %dma_start3A_797 = tpu.memref_slice %arg5[%add3A_789, %dma_start3A_796] : memref<128x128xi32, #tpu.memory_space<vmem>> -> memref<1x128xi32, #tpu.memory_space<vmem>>
        %dma_start3A_798 = tpu.memref_squeeze %dma_start3A_797 : memref<1x128xi32, #tpu.memory_space<vmem>> -> memref<128xi32, #tpu.memory_space<vmem>>
        %dma_start3A_799 = arith.constant 0 : i32
        %dma_start3A_800 = tpu.memref_slice %dma_start3A_798[%dma_start3A_799] : memref<128xi32, #tpu.memory_space<vmem>> -> memref<56xi32, #tpu.memory_space<vmem>>
        %dma_start3A_801 = arith.constant 0 : i32
        %dma_start3A_802 = arith.constant 0 : i32
        %dma_start3A_803 = tpu.memref_slice %arg3[%dma_start3A_801, %dma_start3A_802] : memref<200002x64xf32, #tpu.memory_space<hbm>> -> memref<200002x64xf32, #tpu.memory_space<hbm>>
        %dma_start3A_804 = tpu.memref_slice %arg7[%dma_start3A_791] : memref<8x!tpu.dma_semaphore, #tpu.memory_space<semaphore_mem>> -> memref<1x!tpu.dma_semaphore, #tpu.memory_space<semaphore_mem>>
        %dma_start3A_805 = tpu.memref_squeeze %dma_start3A_804 : memref<1x!tpu.dma_semaphore, #tpu.memory_space<semaphore_mem>> -> memref<!tpu.dma_semaphore, #tpu.memory_space<semaphore_mem>>
        tpu.enqueue_indirect_dma source(%dma_start3A_803 : memref<200002x64xf32, #tpu.memory_space<hbm>>) target(%dma_start3A_795 : memref<56x64xf32, #tpu.memory_space<vmem>>) offsets(%dma_start3A_800 : memref<56xi32, #tpu.memory_space<vmem>>) semaphore(%dma_start3A_805 : memref<!tpu.dma_semaphore, #tpu.memory_space<semaphore_mem>>)
      } else {
      }
      %mul3A_707 = arith.constant 8 : i32
      %mul3A_708 = arith.muli %scan3A_143, %mul3A_707 : i32
      %add3A_709 = arith.constant 7 : i32
      %add3A_710 = arith.addi %mul3A_708, %add3A_709 : i32
      %dma_wait3A_711 = arith.constant 0 : i32
      %dma_wait3A_712 = arith.constant 7 : i32
      %dma_wait3A_713 = arith.constant 7 : i32
      %dma_wait3A_714 = arith.constant 0 : i32
      %dma_wait3A_715 = arith.constant 0 : i32
      %dma_wait3A_716 = tpu.memref_slice %arg6[%dma_wait3A_712, %dma_wait3A_714, %dma_wait3A_715] : memref<8x56x64xf32, #tpu.memory_space<vmem>> -> memref<1x56x64xf32, #tpu.memory_space<vmem>>
      %dma_wait3A_717 = tpu.memref_squeeze %dma_wait3A_716 : memref<1x56x64xf32, #tpu.memory_space<vmem>> -> memref<56x64xf32, #tpu.memory_space<vmem>>
      %dma_wait3A_718 = arith.constant 0 : i32
      %dma_wait3A_719 = tpu.memref_slice %arg5[%dma_wait3A_711, %dma_wait3A_718] : memref<128x128xi32, #tpu.memory_space<vmem>> -> memref<1x128xi32, #tpu.memory_space<vmem>>
      %dma_wait3A_720 = tpu.memref_squeeze %dma_wait3A_719 : memref<1x128xi32, #tpu.memory_space<vmem>> -> memref<128xi32, #tpu.memory_space<vmem>>
      %dma_wait3A_721 = arith.constant 0 : i32
      %dma_wait3A_722 = tpu.memref_slice %dma_wait3A_720[%dma_wait3A_721] : memref<128xi32, #tpu.memory_space<vmem>> -> memref<56xi32, #tpu.memory_space<vmem>>
      %dma_wait3A_723 = arith.constant 0 : i32
      %dma_wait3A_724 = arith.constant 0 : i32
      %dma_wait3A_725 = tpu.memref_slice %arg3[%dma_wait3A_723, %dma_wait3A_724] : memref<200002x64xf32, #tpu.memory_space<hbm>> -> memref<200002x64xf32, #tpu.memory_space<hbm>>
      %dma_wait3A_726 = tpu.memref_slice %arg7[%dma_wait3A_713] : memref<8x!tpu.dma_semaphore, #tpu.memory_space<semaphore_mem>> -> memref<1x!tpu.dma_semaphore, #tpu.memory_space<semaphore_mem>>
      %dma_wait3A_727 = tpu.memref_squeeze %dma_wait3A_726 : memref<1x!tpu.dma_semaphore, #tpu.memory_space<semaphore_mem>> -> memref<!tpu.dma_semaphore, #tpu.memory_space<semaphore_mem>>
      tpu.wait_indirect_dma semaphore(%dma_wait3A_727 : memref<!tpu.dma_semaphore, #tpu.memory_space<semaphore_mem>>) src(%dma_wait3A_725 : memref<200002x64xf32, #tpu.memory_space<hbm>>) dst(%dma_wait3A_717 : memref<56x64xf32, #tpu.memory_space<vmem>>)
      %add3A_728 = arith.addi %mul3A_2, %add3A_710 : i32
      %dma_start3A_729 = arith.constant 7 : i32
      %dma_start3A_730 = arith.constant 7 : i32
      %dma_start3A_731 = arith.constant 0 : i32
      %dma_start3A_732 = arith.constant 0 : i32
      %dma_start3A_733 = tpu.memref_slice %arg6[%dma_start3A_729, %dma_start3A_731, %dma_start3A_732] : memref<8x56x64xf32, #tpu.memory_space<vmem>> -> memref<1x56x64xf32, #tpu.memory_space<vmem>>
      %dma_start3A_734 = tpu.memref_squeeze %dma_start3A_733 : memref<1x56x64xf32, #tpu.memory_space<vmem>> -> memref<56x64xf32, #tpu.memory_space<vmem>>
      %dma_start3A_735 = arith.constant 0 : i32
      %dma_start3A_736 = arith.constant 0 : i32
      %dma_start3A_737 = tpu.memref_slice %arg4[%add3A_728, %dma_start3A_735, %dma_start3A_736] : memref<4096x56x128xf32, #tpu.memory_space<hbm>> -> memref<1x56x128xf32, #tpu.memory_space<hbm>>
      %dma_start3A_738 = tpu.memref_squeeze %dma_start3A_737 : memref<1x56x128xf32, #tpu.memory_space<hbm>> -> memref<56x128xf32, #tpu.memory_space<hbm>>
      %dma_start3A_739 = arith.constant 0 : i32
      %dma_start3A_740 = arith.constant 0 : i32
      %dma_start3A_741 = tpu.memref_slice %dma_start3A_738[%dma_start3A_739, %dma_start3A_740] : memref<56x128xf32, #tpu.memory_space<hbm>> -> memref<56x64xf32, #tpu.memory_space<hbm>>
      %dma_start3A_742 = tpu.memref_slice %arg8[%dma_start3A_730] : memref<8x!tpu.dma_semaphore, #tpu.memory_space<semaphore_mem>> -> memref<1x!tpu.dma_semaphore, #tpu.memory_space<semaphore_mem>>
      %dma_start3A_743 = tpu.memref_squeeze %dma_start3A_742 : memref<1x!tpu.dma_semaphore, #tpu.memory_space<semaphore_mem>> -> memref<!tpu.dma_semaphore, #tpu.memory_space<semaphore_mem>>
      %dma_start3A_744 = arith.constant 0 : i32
      %dma_start3A_745 = arith.constant 0 : i32
      %dma_start3A_746 = tpu.memref_slice %arg4[%add3A_728, %dma_start3A_744, %dma_start3A_745] : memref<4096x56x128xf32, #tpu.memory_space<hbm>> -> memref<1x56x128xf32, #tpu.memory_space<hbm>>
      %dma_start3A_747 = tpu.memref_squeeze %dma_start3A_746 : memref<1x56x128xf32, #tpu.memory_space<hbm>> -> memref<56x128xf32, #tpu.memory_space<hbm>>
      %dma_start3A_748 = arith.constant 0 : i32
      %dma_start3A_749 = arith.constant 0 : i32
      %dma_start3A_750 = tpu.memref_slice %dma_start3A_747[%dma_start3A_748, %dma_start3A_749] : memref<56x128xf32, #tpu.memory_space<hbm>> -> memref<56x64xf32, #tpu.memory_space<hbm>>
      %dma_start3A_751 = arith.constant 0 : i32
      %dma_start3A_752 = arith.constant 0 : i32
      %dma_start3A_753 = tpu.memref_slice %arg6[%dma_start3A_729, %dma_start3A_751, %dma_start3A_752] : memref<8x56x64xf32, #tpu.memory_space<vmem>> -> memref<1x56x64xf32, #tpu.memory_space<vmem>>
      %dma_start3A_754 = tpu.memref_squeeze %dma_start3A_753 : memref<1x56x64xf32, #tpu.memory_space<vmem>> -> memref<56x64xf32, #tpu.memory_space<vmem>>
      tpu.enqueue_dma source(%dma_start3A_754 : memref<56x64xf32, #tpu.memory_space<vmem>>) target(%dma_start3A_750 : memref<56x64xf32, #tpu.memory_space<hbm>>) target_semaphore(%dma_start3A_743 : memref<!tpu.dma_semaphore, #tpu.memory_space<semaphore_mem>>)
      %dma_wait3A_755 = arith.constant 7 : i32
      %dma_wait3A_756 = arith.constant 7 : i32
      %dma_wait3A_757 = arith.constant 0 : i32
      %dma_wait3A_758 = arith.constant 0 : i32
      %dma_wait3A_759 = tpu.memref_slice %arg6[%dma_wait3A_755, %dma_wait3A_757, %dma_wait3A_758] : memref<8x56x64xf32, #tpu.memory_space<vmem>> -> memref<1x56x64xf32, #tpu.memory_space<vmem>>
      %dma_wait3A_760 = tpu.memref_squeeze %dma_wait3A_759 : memref<1x56x64xf32, #tpu.memory_space<vmem>> -> memref<56x64xf32, #tpu.memory_space<vmem>>
      %dma_wait3A_761 = arith.constant 0 : i32
      %dma_wait3A_762 = arith.constant 0 : i32
      %dma_wait3A_763 = tpu.memref_slice %arg4[%add3A_728, %dma_wait3A_761, %dma_wait3A_762] : memref<4096x56x128xf32, #tpu.memory_space<hbm>> -> memref<1x56x128xf32, #tpu.memory_space<hbm>>
      %dma_wait3A_764 = tpu.memref_squeeze %dma_wait3A_763 : memref<1x56x128xf32, #tpu.memory_space<hbm>> -> memref<56x128xf32, #tpu.memory_space<hbm>>
      %dma_wait3A_765 = arith.constant 0 : i32
      %dma_wait3A_766 = arith.constant 0 : i32
      %dma_wait3A_767 = tpu.memref_slice %dma_wait3A_764[%dma_wait3A_765, %dma_wait3A_766] : memref<56x128xf32, #tpu.memory_space<hbm>> -> memref<56x64xf32, #tpu.memory_space<hbm>>
      %dma_wait3A_768 = tpu.memref_slice %arg8[%dma_wait3A_756] : memref<8x!tpu.dma_semaphore, #tpu.memory_space<semaphore_mem>> -> memref<1x!tpu.dma_semaphore, #tpu.memory_space<semaphore_mem>>
      %dma_wait3A_769 = tpu.memref_squeeze %dma_wait3A_768 : memref<1x!tpu.dma_semaphore, #tpu.memory_space<semaphore_mem>> -> memref<!tpu.dma_semaphore, #tpu.memory_space<semaphore_mem>>
      %dma_wait3A_770 = arith.constant 0 : i32
      %dma_wait3A_771 = arith.constant 0 : i32
      %dma_wait3A_772 = tpu.memref_slice %arg4[%add3A_728, %dma_wait3A_770, %dma_wait3A_771] : memref<4096x56x128xf32, #tpu.memory_space<hbm>> -> memref<1x56x128xf32, #tpu.memory_space<hbm>>
      %dma_wait3A_773 = tpu.memref_squeeze %dma_wait3A_772 : memref<1x56x128xf32, #tpu.memory_space<hbm>> -> memref<56x128xf32, #tpu.memory_space<hbm>>
      %dma_wait3A_774 = arith.constant 0 : i32
      %dma_wait3A_775 = arith.constant 0 : i32
      %dma_wait3A_776 = tpu.memref_slice %dma_wait3A_773[%dma_wait3A_774, %dma_wait3A_775] : memref<56x128xf32, #tpu.memory_space<hbm>> -> memref<56x64xf32, #tpu.memory_space<hbm>>
      %dma_wait3A_777 = arith.constant 0 : i32
      %dma_wait3A_778 = arith.constant 0 : i32
      %dma_wait3A_779 = tpu.memref_slice %arg6[%dma_wait3A_755, %dma_wait3A_777, %dma_wait3A_778] : memref<8x56x64xf32, #tpu.memory_space<vmem>> -> memref<1x56x64xf32, #tpu.memory_space<vmem>>
      %dma_wait3A_780 = tpu.memref_squeeze %dma_wait3A_779 : memref<1x56x64xf32, #tpu.memory_space<vmem>> -> memref<56x64xf32, #tpu.memory_space<vmem>>
      tpu.wait_dma2 semaphore(%dma_wait3A_769 : memref<!tpu.dma_semaphore, #tpu.memory_space<semaphore_mem>>) src(%dma_wait3A_780 : memref<56x64xf32, #tpu.memory_space<vmem>>) dst(%dma_wait3A_776 : memref<56x64xf32, #tpu.memory_space<hbm>>)
      %add3A_781 = arith.constant 8 : i32
      %add3A_782 = arith.addi %add3A_710, %add3A_781 : i32
      %lt3A_783 = arith.constant 128 : i32
      %lt3A_784 = arith.cmpi slt, %add3A_782, %lt3A_783 : i32
      %convert_element_type3A_785 = arith.extui %lt3A_784 : i1 to i32
      %cond3A_786 = arith.constant 0 : i32
      %cond3A_787 = arith.cmpi ne, %convert_element_type3A_785, %cond3A_786 : i32
      scf.if %cond3A_787 {
        %add3A_788 = arith.constant 8 : i32
        %add3A_789 = arith.addi %add3A_710, %add3A_788 : i32
        %dma_start3A_790 = arith.constant 7 : i32
        %dma_start3A_791 = arith.constant 7 : i32
        %dma_start3A_792 = arith.constant 0 : i32
        %dma_start3A_793 = arith.constant 0 : i32
        %dma_start3A_794 = tpu.memref_slice %arg6[%dma_start3A_790, %dma_start3A_792, %dma_start3A_793] : memref<8x56x64xf32, #tpu.memory_space<vmem>> -> memref<1x56x64xf32, #tpu.memory_space<vmem>>
        %dma_start3A_795 = tpu.memref_squeeze %dma_start3A_794 : memref<1x56x64xf32, #tpu.memory_space<vmem>> -> memref<56x64xf32, #tpu.memory_space<vmem>>
        %dma_start3A_796 = arith.constant 0 : i32
        %dma_start3A_797 = tpu.memref_slice %arg5[%add3A_789, %dma_start3A_796] : memref<128x128xi32, #tpu.memory_space<vmem>> -> memref<1x128xi32, #tpu.memory_space<vmem>>
        %dma_start3A_798 = tpu.memref_squeeze %dma_start3A_797 : memref<1x128xi32, #tpu.memory_space<vmem>> -> memref<128xi32, #tpu.memory_space<vmem>>
        %dma_start3A_799 = arith.constant 0 : i32
        %dma_start3A_800 = tpu.memref_slice %dma_start3A_798[%dma_start3A_799] : memref<128xi32, #tpu.memory_space<vmem>> -> memref<56xi32, #tpu.memory_space<vmem>>
        %dma_start3A_801 = arith.constant 0 : i32
        %dma_start3A_802 = arith.constant 0 : i32
        %dma_start3A_803 = tpu.memref_slice %arg3[%dma_start3A_801, %dma_start3A_802] : memref<200002x64xf32, #tpu.memory_space<hbm>> -> memref<200002x64xf32, #tpu.memory_space<hbm>>
        %dma_start3A_804 = tpu.memref_slice %arg7[%dma_start3A_791] : memref<8x!tpu.dma_semaphore, #tpu.memory_space<semaphore_mem>> -> memref<1x!tpu.dma_semaphore, #tpu.memory_space<semaphore_mem>>
        %dma_start3A_805 = tpu.memref_squeeze %dma_start3A_804 : memref<1x!tpu.dma_semaphore, #tpu.memory_space<semaphore_mem>> -> memref<!tpu.dma_semaphore, #tpu.memory_space<semaphore_mem>>
        tpu.enqueue_indirect_dma source(%dma_start3A_803 : memref<200002x64xf32, #tpu.memory_space<hbm>>) target(%dma_start3A_795 : memref<56x64xf32, #tpu.memory_space<vmem>>) offsets(%dma_start3A_800 : memref<56xi32, #tpu.memory_space<vmem>>) semaphore(%dma_start3A_805 : memref<!tpu.dma_semaphore, #tpu.memory_space<semaphore_mem>>)
      } else {
      }
    }
    %scan3A_142 = arith.constant 16 : i32
    return
  }
}

</mosaic_0001>

<sc_bundles>
// kernel: kernel.3.cloned.1.call-start
scs
__scs_entry_jumppad:
0x0: {  	(pc) =	sbr.rel $0x88, $3  }
0x1: {  	(tag) =	ssettag $0x0;
	lr =	simm.s32 $0x1  }
0x2: {  	[smem:$0x3F9F] =	sst lr;
	_ =	strace $0xD0000000  }
0x3: {  	_ = 	snop  }
0x4: {  	_ = 	snop  }
0x5: {  	_ = 	snop  }
0x6: {  	_ = 	snop  }
0x7: {  	_ = 	snop  }
__scs_overlays_trampoline_lowered:
0x8: {  	[smem:$0x3FAE] =	sst s0  }
0x9: {  	[smem:$0x3FAF] =	sst s1  }
0xa: {  	[smem:$0x3FB0] =	sst s2  }
0xb: {  	[smem:$0x3FB1] =	sst s3  }
0xc: {  	[smem:$0x3FB2] =	sst s4  }
0xd: {  	[smem:$0x3FB3] =	sst s5  }
0xe: {  	[smem:$0x3FB4] =	sst s6  }
0xf: {  	[smem:$0x3FB5] =	sst s7  }
0x10: {  	[smem:$0x3FB6] =	sst s8  }
0x11: {  	[smem:$0x3FB7] =	sst s9;
	s0 =	simm.s32 @!p0 $0x0  }
0x12: {  	s1 =	sld [smem:$0x3F9D];
	s0 =	simm.s32 @p0 $0x1  }
0x13: {  	[smem:$0x3FB8] =	sst s0;
	s0 =	simm.s32 @!p1 $0x0  }
0x14: {  	s2 =	sld [smem:$0x3F9C];
	s0 =	simm.s32 @p1 $0x1  }
0x15: {  	[smem:$0x3FB9] =	sst s0;
	s0 =	simm.s32 @!p2 $0x0  }
0x16: {  	s3 =	sld [smem:$0x3FDB];
	s0 =	simm.s32 @p2 $0x1  }
0x17: {  	s4 =	simm.s32 $0x1BF5;
	[smem:$0x3FBB] =	sst s0  }
0x18: {  	s0 =	sld [smem:$0x3F9E];
	_ =	swait.ge [sflag:s4], $0x0  }
0x19: {  	s7 =	sld [smem:$0x3F9F]  }
0x1a: {  	s8 =	sadd.s32 $0xFFFFE003, lr  }
0x1b: {  	s9 =	sadd.s32 $0xFFFFFEF7, lr;
	s5 =	simm.s32 $0xFFFFFFFF;
	p2 =	slt.u32 s8, $0xFFFFF086  }
0x1c: {  	p1 =	slt.u32 s9, $0xF7A;
	s5 =	simm.s32 @!p2 $0x0  }
0x1d: {  	s5 =	simm.s32 @p1 $0x1;
	p0 =	seq.s32 s7, s2  }
0x1e: {  	s7 =	smul.u32 @!p0 $0xF7A, s2;
	p2 =	seq.s32 @!p0 s5, $0x0  }
0x1f: {  	s9 =	smul.u32 $0xF7A, s1;
	s8 =	simm.s32 @!p0 $0x1BF5;
	p2 =	por !p2, p0  }
0x20: {  	[sflag:s8] =	ssyncset.s32 @!p0 $0xFFFFF086;
	s6 =	sadd.s32 @!p0 s3, s7;
	s7 =	simm.s32 @!p0 $0x108  }
0x21: {  	s3 =	sadd.s32 s3, s9;
	s6 =	sadd.s32 @!p0 $0x88, s6;
	s7 =	simm.s32 @p2 $0x1082  }
0x22: {  	[simem:s7], [sflag:s8] =	dma.local @!p0 [hbm:s6], $0xF7A  }
0x23: {  	s9 =	sor.u32 $0xD0000000, s2;
	s6 =	simm.s32 $0x108;
	_ =	swait.ge @!p0 [sflag:s8], $0x0  }
0x24: {  	s3 =	sadd.s32 $0x88, s3;
	s6 =	simm.s32 @!p1 $0x1082;
	[sflag:s4] =	ssyncset.s32 $0xFFFFF086  }
0x25: {  	[simem:s6], [sflag:s4] =	dma.local [hbm:s3], $0xF7A  }
0x26: {  	[smem:$0x3F9F] =	sst s1;
	(tag) =	ssettag s2;
	_ =	strace s9  }
0x27: {  	s1 =	sld [smem:$0x3FAF]  }
0x28: {  	s2 =	sld [smem:$0x3FB0]  }
0x29: {  	s4 =	sld [smem:$0x3FB2]  }
0x2a: {  	p0 =	seq.s32 s5, $0x0;
	s5 =	sld [smem:$0x3FB3]  }
0x2b: {  	s6 =	sld [smem:$0x3FB4]  }
0x2c: {  	s7 =	sld [smem:$0x3FB5]  }
0x2d: {  	s3 =	simm.s32 $0x108;
	s8 =	sld [smem:$0x3FB6]  }
0x2e: {  	s3 =	simm.s32 @!p0 $0x1082;
	s9 =	sld [smem:$0x3FB7]  }
0x2f: {  	lr =	sadd.s32 s0, s3;
	s0 =	sld [smem:$0x3FAE]  }
0x30: {  	s3 =	sld [smem:$0x3FB1]  }
0x31: {  	[smem:$0x3FBA] =	sst s10  }
0x32: {  	s10 =	sld [smem:$0x3FB8];
	_ =	sdelay $0x3  }
0x33: {  	p0 =	seq.s32 s10, $0x1;
	s10 =	sld [smem:$0x3FBA];
	_ =	sdelay $0x3  }
0x34: {  	[smem:$0x3FBA] =	sst s10  }
0x35: {  	s10 =	sld [smem:$0x3FB9];
	_ =	sdelay $0x3  }
0x36: {  	p1 =	seq.s32 s10, $0x1;
	s10 =	sld [smem:$0x3FBA];
	_ =	sdelay $0x3  }
0x37: {  	[smem:$0x3FBA] =	sst s10  }
0x38: {  	s10 =	sld [smem:$0x3FBB]  }
0x39: {  	_ = 	snop;
	(pc) =	sbr.ind lr, $3  }
0x3a: {  	_ = 	snop  }
0x3b: {  	_ = 	snop  }
0x3c: {  	p2 =	seq.s32 s10, $0x1;
	s10 =	sld [smem:$0x3FBA]  }
0x3d: {  	_ =	shalt  }
0x3e: {  	_ =	shalt  }
0x3f: {  	_ =	shalt  }
0x40: {  	_ =	shalt  }
0x41: {  	_ =	shalt  }
0x42: {  	_ =	shalt  }
0x43: {  	_ =	shalt  }
0x44: {  	_ =	shalt  }
0x45: {  	_ =	shalt  }
0x46: {  	_ =	shalt  }
0x47: {  	_ =	shalt  }
0x48: {  	_ =	shalt  }
0x49: {  	_ =	shalt  }
0x4a: {  	_ =	shalt  }
0x4b: {  	_ =	shalt  }
0x4c: {  	_ =	shalt  }
0x4d: {  	_ =	shalt  }
0x4e: {  	_ =	shalt  }
0x4f: {  	_ =	shalt  }
0x50: {  	_ =	shalt  }
0x51: {  	_ =	shalt  }
0x52: {  	_ =	shalt  }
0x53: {  	_ =	shalt  }
0x54: {  	_ =	shalt  }
0x55: {  	_ =	shalt  }
0x56: {  	_ =	shalt  }
0x57: {  	_ =	shalt  }
0x58: {  	_ =	shalt  }
0x59: {  	_ =	shalt  }
0x5a: {  	_ =	shalt  }
0x5b: {  	_ =	shalt  }
0x5c: {  	_ =	shalt  }
0x5d: {  	_ =	shalt  }
0x5e: {  	_ =	shalt  }
0x5f: {  	_ =	shalt  }
0x60: {  	_ =	shalt  }
0x61: {  	_ =	shalt  }
0x62: {  	_ =	shalt  }
0x63: {  	_ =	shalt  }
0x64: {  	_ =	shalt  }
0x65: {  	_ =	shalt  }
0x66: {  	_ =	shalt  }
0x67: {  	_ =	shalt  }
0x68: {  	_ =	shalt  }
0x69: {  	_ =	shalt  }
0x6a: {  	_ =	shalt  }
0x6b: {  	_ =	shalt  }
0x6c: {  	_ =	shalt  }
0x6d: {  	_ =	shalt  }
0x6e: {  	_ =	shalt  }
0x6f: {  	_ =	shalt  }
0x70: {  	_ =	shalt  }
0x71: {  	_ =	shalt  }
0x72: {  	_ =	shalt  }
0x73: {  	_ =	shalt  }
0x74: {  	_ =	shalt  }
0x75: {  	_ =	shalt  }
0x76: {  	_ =	shalt  }
0x77: {  	_ =	shalt  }
0x78: {  	_ =	shalt  }
0x79: {  	_ =	shalt  }
0x7a: {  	_ =	shalt  }
0x7b: {  	_ =	shalt  }
0x7c: {  	_ =	shalt  }
0x7d: {  	_ =	shalt  }
0x7e: {  	_ =	shalt  }
0x7f: {  	_ =	shalt  }
0x80: {  	_ =	shalt  }
0x81: {  	_ =	shalt  }
0x82: {  	_ =	shalt  }
0x83: {  	_ =	shalt  }
0x84: {  	_ =	shalt  }
0x85: {  	_ =	shalt  }
0x86: {  	_ =	shalt  }
0x87: {  	_ =	shalt  }
.Lfunc_end0:
.L_simem_size_0:
called_computation.1_lowered:
.L_overlay_start_0:
0x88: {  	s2 =	sld [smem:$0x3FD9]  }
0x89: {  	s3 =	sld [smem:$0x3FFE];
	_ =	sdelay $0x1  }
0x8a: {  	s1 =	srdreg.scid  }
0x8b: {  	s0 =	sand.u32 $0x1, s1  }
0x8c: {  	s16 =	sshll.u32 s0, $0xA;
	s2 =	sadd.s32 s3, s2  }
0x8d: {  	s2 =	sadd.s32 s2, s16  }
0x8e: {  	[smem:$0x3FC6] =	sst s2  }
0x8f: {  	_ = 	snop  }
0x90: {  	(tm) =	ssettm $0x1  }
0x91: {  	s17 =	sld [smem:$0x3FFB];
	_ =	sdelay $0x3  }
0x92: {  	_ =	strace s17  }
0x93: {  	s2 =	sld [smem:$0x3FFC];
	_ =	sdelay $0x3  }
0x94: {  	_ =	strace s2  }
0x95: {  	s2 =	sld [smem:$0x3FFD];
	_ =	sdelay $0x3  }
0x96: {  	_ =	strace s2  }
0x97: {  	_ =	strace $0x8FFFFFFF  }
0x98: {  	s18 =	sld [smem:$0x3FDB];
	_ =	sdelay $0x1  }
0x99: {  	s19 =	simm.s32 $_scs_section_size  }
0x9a: {  	s4 =	simm.s32 $_size__tile_overlayer_lowered;
	s5 =	simm.s32 $_tile_overlayer_lowered  }
0x9b: {  	s22 =	simm.s32 $0x1BFF;
	s21 =	sshll.u32 s5, $0x1;
	s2 =	sadd.s32 s19, s18  }
0x9c: {  	s6 =	simm.s32 $0x0;
	s20 =	sshll.u32 s4, $0x1;
	s4 =	sadd.s32 s21, s2  }
0x9d: {  	[timem:s6], [sflag:s22] =	dma.local [hbm:s4], s20  }
0x9e: {  	_ =	swait.ge [sflag:s22], s20  }
0x9f: {  	s3 =	ssub.s32 $0x0, s20;
	[sflag:s22] =	ssyncset.done $0x0  }
0xa0: {  	[sflag:s22] =	ssyncadd.s32 s3;
	_ =	sdelay $0x1  }
0xa1: {  	s23 =	simm.s32 $0x1B8B  }
0xa2: {  	_ =	swait.ge [sflag:s23], $0x1  }
0xa3: {  	[sflag:s23] =	ssyncset.done $0x0  }
0xa4: {  	s25 =	simm.s32 $0x1B8E;
	s24 =	sld [smem:$0x3FFE];
	[sflag:s23] =	ssyncadd.s32 $0xFFFFFFFF  }
0xa5: {  	s26 =	simm.s32 $execute0_lowered;
	[smem:$0x3FD2] =	sst s25  }
0xa6: {  	s4 =	sshll.u32 s26, $0x1;
	_ =	strace $0x80000046;
	[dreg:$0x1] =	wrdreg $0xFFFFFFFF  }
0xa7: {  	s28 =	simm.s32 $_size_execute0_lowered;
	s2 =	sadd.s32 s2, s4;
	[dreg:$0x0] =	wrdreg $0x0  }
0xa8: {  	s4 =	sshll.u32 s28, $0x1;
	[dreg:$0x2] =	wrdreg s2  }
0xa9: {  	[dreg:$0x3] =	wrdreg s4  }
0xaa: {  	[dreg:$0x4] =	wrdreg $0xC0  }
0xab: {  	_ =	task [dreg:s6], $0x5FFFF  }
0xac: {  	[dreg:$0x1] =	wrdreg $0xFFFFFFFF  }
0xad: {  	[dreg:$0x0] =	wrdreg $0x60  }
0xae: {  	[dreg:$0x2] =	wrdreg s24  }
0xaf: {  	[dreg:$0x3] =	wrdreg $0x9  }
0xb0: {  	_ =	task.clear_ibuf [dreg:s6], $0x4FFFF;
	_ =	strace $0x90000046  }
0xb1: {  	s29 =	simm.s32 $0x9;
	_ =	strace $0x80000048  }
0xb2: {  	_ =	swait.ge [sflag:s29], $0x1  }
0xb3: {  	[sflag:s29] =	ssyncadd.s32 $0xFFFFFFFF  }
0xb4: {  	_ =	strace $0x90000048  }
0xb5: {  	_ =	sfence  }
0xb6: {  	s30 =	sld [smem:$0x0];
	_ =	sdelay $0x2  }
0xb7: {  	s31 =	sshll.u32 s1, $0xD;
	s1 =	sshrl.u32 s1, $0x2  }
0xb8: {  	s3 =	sand.u32 $0x4000, s31;
	s1 =	sadd.s32 s1, s30  }
0xb9: {  	s0 =	sor.u32 s3, s0;
	s1 =	sshll.u32 s1, $0x11  }
0xba: {  	s0 =	sor.u32 s1, s0  }
0xbb: {  	s0 =	sadd.s32 $0x8F2B, s0  }
0xbc: {  	[sflag:s0] =	ssyncadd.remote.s32 $0x1  }
0xbd: {  	_ =	sfence.sel $0xFFFF  }
0xbe: {  	[dreg:$0x0] =	wrdreg $0xFFFFFFFF;
	(pc) =	sbr.abs _section_cstart, $3  }
0xbf: {  	[dreg:$0x1] =	wrdreg $0xFFFFFFFF  }
0xc0: {  	_ =	task.clear_ibuf [dreg:s6], $0x2FFFF;
	_ =	strace $0x9FFFFFFF  }
0xc1: {  	(tm) =	ssettm $0x7FFFFFFF  }
tec
execute0_lowered:
.L_overlay_start_1:
0x0: {  	(tag) =	ssettag $0x1  }
0x1: {  	s0 =	rddreg [dreg:$0x0];
	s2 =	simm.s32 $0x0;
	s1 =	srdreg.scid  }
0x2: {  	s4 =	stileid.u32;
	s8 =	simm.s32 $0x38;
	s10 =	simm.s32 $0x80  }
0x3: {  	s15 =	simm.s32 $0x6A00;
	s17 =	simm.s32 $0x7800;
	s19 =	simm.s32 $0x8600  }
0x4: {  	s21 =	simm.s32 $0x9400;
	s23 =	simm.s32 $0xA200;
	s28 =	simm.s32 $0x2  }
0x5: {  	s29 =	simm.s32 $0xA;
	s30 =	simm.s32 $0x3;
	s31 =	simm.s32 $0xB  }
0x6: {  	s12 =	simm.s32 $0x5;
	s14 =	simm.s32 $0xD;
	s16 =	simm.s32 $0x6  }
0x7: {  	s18 =	simm.s32 $0xE;
	s20 =	simm.s32 $0x7;
	s22 =	simm.s32 $0xF  }
0x8: {  	[smem:$0x7FF] =	sst s2;
	s1 =	sand.u32 $0x1, s1;
	s24 =	sshll.u32 s4, $0xC  }
0x9: {  	s4 =	smul.u32 $0x38000, s4;
	_ =	strace $0x80000047;
	s3 =	sshll.u32 s1, $0xB  }
0xa: {  	s5 =	ssub.s32 $0x2, s1;
	s1 =	smul.u32 $0x1C000, s1;
	s2 =	sor.u32 s3, s24  }
0xb: {  	s6 =	sshrl.u32 s5, $0x1;
	s3 =	sadd.s32 $0x10C00, s0;
	s24 =	simm.s32 $0x1  }
0xc: {  	s2 =	sadd.s32 s2, s0;
	s0 =	sadd.s32 s4, s0;
	s25 =	ssub.s32 s5, s6  }
.Ltmp0:
0xd: {  	s4 =	simm.s32 $0x10;
	s6 =	simm.s32 $0x0;
	(pc) =	sbr.rel .LBB2_1-.Ltmp0, $4  }
0xe: {  	s2 =	sadd.s32 $0xC00, s2;
	s26 =	smax.u32 s25, $0x1;
	s0 =	sadd.s32 s1, s0  }
0xf: {  	s25 =	simm.s32 $0x40;
	s1 =	simm.s32 $0xC;
	[dreg:$0x2] =	wrdreg s2  }
0x10: {  	[dreg:$0x3] =	wrdreg s26;
	s0 =	sadd.s32 $0x197800, s0;
	s26 =	simm.s32 $0x9  }
0x11: {  	s2 =	simm.s32 $0x8;
	[dreg:$0x4] =	wrdreg s0;
	s0 =	simm.s32 $0x4  }
.LBB2_4:
0x12: {  	s6 =	rddreg [dreg:$0x5]  }
0x13: {  	s5 =	rddreg [dreg:$0x3];
	s6 =	sadd.s32 $0x1, s6  }
0x14: {  	p0 =	sne.s32 s6, s5  }
.Ltmp1:
0x15: {  	_ = 	snop;
	(pc) =	sbr.rel @!p0 .LBB2_5-.Ltmp1, $1  }
0x16: {  	_ =	sdelay $0x3  }
.LBB2_1:
0x17: {  	[dreg:$0x5] =	wrdreg s6  }
0x18: {  	s5 =	simm.s32 $0x0;
	s11 =	rddreg [dreg:$0x2];
	s13 =	simm.s32 $0x11  }
0x19: {  	[tilespmem:s5], [sflag:$0x11] =	stream.linear.gather [hbm4b:s11+s5], $0x4000, $0x38;
	[tilespmem:$0xB000] =	vst v63  }
0x1a: {  	_ =	swait.ge [sflag:s13], $0x4000  }
0x1b: {  	[sflag:s13] =	ssyncset.done $0x0  }
0x1c: {  	s7 =	simm.s32 $0x4000;
	[sflag:s13] =	ssyncadd.s32 $0xFFFFC000  }
0x1d: {  	[tilespmem:s7], [sflag:$0x1] =	stream.indirect.gather [hbm4b:s3+s8], $0x40, s5, s8, $0xb8;
	[tilespmem:$0xB000] =	vst v63  }
0x1e: {  	s9 =	simm.s32 $0x4E00  }
0x1f: {  	[tilespmem:s9], [sflag:$0x2] =	stream.indirect.gather [hbm4b:s3+s8], $0x40, s10, s8, $0xb8;
	[tilespmem:$0xB000] =	vst v63  }
0x20: {  	s11 =	simm.s32 $0x100;
	s13 =	simm.s32 $0x5C00  }
0x21: {  	[tilespmem:s13], [sflag:$0x3] =	stream.indirect.gather [hbm4b:s3+s8], $0x40, s11, s8, $0xb8;
	[tilespmem:$0xB000] =	vst v63  }
0x22: {  	s6 =	simm.s32 $0x180  }
0x23: {  	[tilespmem:s15], [sflag:$0x4] =	stream.indirect.gather [hbm4b:s3+s8], $0x40, s6, s8, $0xb8;
	[tilespmem:$0xB000] =	vst v63  }
0x24: {  	s7 =	simm.s32 $0x200  }
0x25: {  	[tilespmem:s17], [sflag:$0x5] =	stream.indirect.gather [hbm4b:s3+s8], $0x40, s7, s8, $0xb8;
	[tilespmem:$0xB000] =	vst v63  }
0x26: {  	s9 =	simm.s32 $0x280  }
0x27: {  	[tilespmem:s19], [sflag:$0x6] =	stream.indirect.gather [hbm4b:s3+s8], $0x40, s9, s8, $0xb8;
	[tilespmem:$0xB000] =	vst v63  }
0x28: {  	s11 =	simm.s32 $0x300  }
0x29: {  	[tilespmem:s21], [sflag:$0x7] =	stream.indirect.gather [hbm4b:s3+s8], $0x40, s11, s8, $0xb8;
	[tilespmem:$0xB000] =	vst v63  }
0x2a: {  	s13 =	simm.s32 $0x380;
	s6 =	rddreg [dreg:$0x4];
	s7 =	simm.s32 $0x0  }
0x2b: {  	[tilespmem:s23], [sflag:$0x8] =	stream.indirect.gather [hbm4b:s3+s8], $0x40, s13, s8, $0xb8;
	[tilespmem:$0xB000] =	vst v63  }
.LBB2_2:
0x2c: {  	_ =	swait.ge [sflag:s24], $0xE00  }
0x2d: {  	[sflag:s24] =	ssyncset.done $0x0  }
0x2e: {  	s5 =	simm.s32 $0x4000;
	[sflag:s24] =	ssyncadd.s32 $0xFFFFF200  }
0x2f: {  	[hbm4b:s6+s25] =	stream.strided.scatter [tilespmem:s5], [sflag:$0x9], $0xE00, s10, s25, $0x38;
	[tilespmem:$0xB000] =	vst v63  }
0x30: {  	p0 =	seq.s32 s7, $0xF000;
	_ =	swait.ge [sflag:s26], $0xE00  }
0x31: {  	s9 =	simm.s32 @!p0 $0x38;
	s5 =	sshra.s32 @!p0 s7, $0x2;
	[sflag:s26] =	ssyncset.done $0x0  }
0x32: {  	s13 =	simm.s32 @!p0 $0x4000;
	s11 =	sadd.s32 @!p0 $0x400, s5;
	[sflag:s26] =	ssyncadd.s32 $0xFFFFF200  }
0x33: {  	[tilespmem:s13], [sflag:$0x1] =	stream.indirect.gather @!p0 [hbm4b:s3+s9], $0x40, s11, s9, $0xb8;
	[tilespmem:$0xB000] =	vst v63  }
0x34: {  	_ =	swait.ge [sflag:s28], $0xE00  }
0x35: {  	[sflag:s28] =	ssyncset.done $0x0  }
0x36: {  	s11 =	sadd.s32 $0x380, s6;
	s13 =	simm.s32 $0x4E00;
	[sflag:s28] =	ssyncadd.s32 $0xFFFFF200  }
0x37: {  	[hbm4b:s11+s25] =	stream.strided.scatter [tilespmem:s13], [sflag:$0xA], $0xE00, s10, s25, $0x38;
	[tilespmem:$0xB000] =	vst v63  }
0x38: {  	_ =	swait.ge [sflag:s29], $0xE00  }
0x39: {  	[sflag:s29] =	ssyncset.done $0x0  }
0x3a: {  	s11 =	sadd.s32 @!p0 $0x480, s5;
	s13 =	simm.s32 @!p0 $0x4E00;
	[sflag:s29] =	ssyncadd.s32 $0xFFFFF200  }
0x3b: {  	[tilespmem:s13], [sflag:$0x2] =	stream.indirect.gather @!p0 [hbm4b:s3+s9], $0x40, s11, s9, $0xb8;
	[tilespmem:$0xB000] =	vst v63  }
0x3c: {  	_ =	swait.ge [sflag:s30], $0xE00  }
0x3d: {  	[sflag:s30] =	ssyncset.done $0x0  }
0x3e: {  	s11 =	sadd.s32 $0x700, s6;
	s13 =	simm.s32 $0x5C00;
	[sflag:s30] =	ssyncadd.s32 $0xFFFFF200  }
0x3f: {  	[hbm4b:s11+s25] =	stream.strided.scatter [tilespmem:s13], [sflag:$0xB], $0xE00, s10, s25, $0x38;
	[tilespmem:$0xB000] =	vst v63  }
0x40: {  	_ =	swait.ge [sflag:s31], $0xE00  }
0x41: {  	[sflag:s31] =	ssyncset.done $0x0  }
0x42: {  	s11 =	sadd.s32 @!p0 $0x500, s5;
	s13 =	simm.s32 @!p0 $0x5C00;
	[sflag:s31] =	ssyncadd.s32 $0xFFFFF200  }
0x43: {  	[tilespmem:s13], [sflag:$0x3] =	stream.indirect.gather @!p0 [hbm4b:s3+s9], $0x40, s11, s9, $0xb8;
	[tilespmem:$0xB000] =	vst v63  }
0x44: {  	_ =	swait.ge [sflag:s0], $0xE00  }
0x45: {  	[sflag:s0] =	ssyncset.done $0x0  }
0x46: {  	s13 =	sadd.s32 $0xA80, s6;
	[sflag:s0] =	ssyncadd.s32 $0xFFFFF200  }
0x47: {  	[hbm4b:s13+s25] =	stream.strided.scatter [tilespmem:s15], [sflag:$0xC], $0xE00, s10, s25, $0x38;
	[tilespmem:$0xB000] =	vst v63  }
0x48: {  	_ =	swait.ge [sflag:s1], $0xE00  }
0x49: {  	[sflag:s1] =	ssyncset.done $0x0  }
0x4a: {  	s11 =	sadd.s32 @!p0 $0x580, s5;
	s13 =	simm.s32 @!p0 $0x6A00;
	[sflag:s1] =	ssyncadd.s32 $0xFFFFF200  }
0x4b: {  	[tilespmem:s13], [sflag:$0x4] =	stream.indirect.gather @!p0 [hbm4b:s3+s9], $0x40, s11, s9, $0xb8;
	[tilespmem:$0xB000] =	vst v63  }
0x4c: {  	_ =	swait.ge [sflag:s12], $0xE00  }
0x4d: {  	[sflag:s12] =	ssyncset.done $0x0  }
0x4e: {  	s13 =	sadd.s32 $0xE00, s6;
	[sflag:s12] =	ssyncadd.s32 $0xFFFFF200  }
0x4f: {  	[hbm4b:s13+s25] =	stream.strided.scatter [tilespmem:s17], [sflag:$0xD], $0xE00, s10, s25, $0x38;
	[tilespmem:$0xB000] =	vst v63  }
0x50: {  	_ =	swait.ge [sflag:s14], $0xE00  }
0x51: {  	[sflag:s14] =	ssyncset.done $0x0  }
0x52: {  	s11 =	sadd.s32 @!p0 $0x600, s5;
	s13 =	simm.s32 @!p0 $0x7800;
	[sflag:s14] =	ssyncadd.s32 $0xFFFFF200  }
0x53: {  	[tilespmem:s13], [sflag:$0x5] =	stream.indirect.gather @!p0 [hbm4b:s3+s9], $0x40, s11, s9, $0xb8;
	[tilespmem:$0xB000] =	vst v63  }
0x54: {  	_ =	swait.ge [sflag:s16], $0xE00  }
0x55: {  	[sflag:s16] =	ssyncset.done $0x0  }
0x56: {  	s13 =	sadd.s32 $0x1180, s6;
	[sflag:s16] =	ssyncadd.s32 $0xFFFFF200  }
0x57: {  	[hbm4b:s13+s25] =	stream.strided.scatter [tilespmem:s19], [sflag:$0xE], $0xE00, s10, s25, $0x38;
	[tilespmem:$0xB000] =	vst v63  }
0x58: {  	_ =	swait.ge [sflag:s18], $0xE00  }
0x59: {  	[sflag:s18] =	ssyncset.done $0x0  }
0x5a: {  	s11 =	sadd.s32 @!p0 $0x680, s5;
	s13 =	simm.s32 @!p0 $0x8600;
	[sflag:s18] =	ssyncadd.s32 $0xFFFFF200  }
0x5b: {  	[tilespmem:s13], [sflag:$0x6] =	stream.indirect.gather @!p0 [hbm4b:s3+s9], $0x40, s11, s9, $0xb8;
	[tilespmem:$0xB000] =	vst v63  }
0x5c: {  	_ =	swait.ge [sflag:s20], $0xE00  }
0x5d: {  	[sflag:s20] =	ssyncset.done $0x0  }
0x5e: {  	s13 =	sadd.s32 $0x1500, s6;
	[sflag:s20] =	ssyncadd.s32 $0xFFFFF200  }
0x5f: {  	[hbm4b:s13+s25] =	stream.strided.scatter [tilespmem:s21], [sflag:$0xF], $0xE00, s10, s25, $0x38;
	[tilespmem:$0xB000] =	vst v63  }
0x60: {  	_ =	swait.ge [sflag:s22], $0xE00  }
0x61: {  	[sflag:s22] =	ssyncset.done $0x0  }
0x62: {  	s5 =	sadd.s32 @!p0 $0x700, s5;
	s11 =	simm.s32 @!p0 $0x9400;
	[sflag:s22] =	ssyncadd.s32 $0xFFFFF200  }
0x63: {  	[tilespmem:s11], [sflag:$0x7] =	stream.indirect.gather @!p0 [hbm4b:s3+s9], $0x40, s5, s9, $0xb8;
	[tilespmem:$0xB000] =	vst v63  }
0x64: {  	_ =	swait.ge [sflag:s2], $0xE00  }
0x65: {  	[sflag:s2] =	ssyncset.done $0x0  }
.Ltmp2:
0x66: {  	s13 =	sadd.s32 $0x1880, s6;
	[sflag:s2] =	ssyncadd.s32 $0xFFFFF200;
	(pc) =	sbr.rel @p0 .LBB2_4-.Ltmp2, $4  }
0x67: {  	[hbm4b:s13+s25] =	stream.strided.scatter [tilespmem:s23], [sflag:$0x10], $0xE00, s10, s25, $0x38;
	[tilespmem:$0xB000] =	vst v63  }
0x68: {  	_ =	swait.ge [sflag:s4], $0xE00  }
0x69: {  	[sflag:s4] =	ssyncset.done $0x0  }
0x6a: {  	[sflag:s4] =	ssyncadd.s32 $0xFFFFF200  }
.Ltmp3:
0x6b: {  	(pc) =	sbr.rel .LBB2_2-.Ltmp3, $4  }
0x6c: {  	_ = 	snop  }
0x6d: {  	s5 =	sshra.s32 s7, $0x2  }
0x6e: {  	s7 =	sadd.s32 $0x1000, s7;
	s6 =	sadd.s32 $0x1C00, s6;
	s5 =	sadd.s32 $0x780, s5  }
0x6f: {  	[tilespmem:s23], [sflag:$0x8] =	stream.indirect.gather [hbm4b:s3+s8], $0x40, s5, s8, $0xb8;
	[tilespmem:$0xB000] =	vst v63  }
.LBB2_5:
0x70: {  	_ =	sfence.sel $0x180000  }
0x71: {  	[bflag:$0x0] =	sbarrier.arrive $0xFFFF  }
0x72: {  	_ =	strace $0x90000047  }
0x73: {  	s0 =	stileid.u32;
	[bflag:$0x2] =	sbarrier.arrive $0xFFFF  }
0x74: {  	p0 =	sne.s32 s0, $0x0;
	s0 =	rddreg [dreg:$0x1]  }
0x75: {  	s0 =	sadd.s32 @!p0 $0x100000, s0  }
0x76: {  	[sflag:s0] =	ssyncadd.tile.s32 @!p0 $0x1;
	_ =	shalt  }
.Lfunc_end2:
_tile_overlayer_lowered:
.L_overlay_start_2:
0x77: {  	(tag) =	ssettag $0x2  }
0x78: {  	s0 =	rddreg [dreg:$0x0];
	s2 =	stileid.u32  }
0x79: {  	s1 =	rddreg [dreg:$0x1];
	p0 =	sne.s32 s2, $0x0  }
0x7a: {  	s3 =	rddreg [dreg:$0x2];
	[bflag:$0x3] =	sbarrier.arrive $0xFFFF;
	s2 =	simm.s32 @!p0 $0x1C11  }
0x7b: {  	[timem:s3], [sflag:s2] =	dma.local @!p0 [hbm:s0], s1  }
0x7c: {  	s0 =	simm.s32 @!p0 $0x11  }
0x7d: {  	_ =	swait.ge @!p0 [sflag:s0], s1  }
0x7e: {  	s1 =	ssub.s32 @!p0 $0x0, s1;
	[sflag:s0] =	ssyncset.done @!p0 $0x0  }
0x7f: {  	[sflag:s0] =	ssyncadd.s32 @!p0 s1  }
0x80: {  	[bflag:$0x3] =	sbarrier.arrive $0xFFFF  }
0x81: {  	_ =	shalt  }

// kernel: sparse-core-data-format-call.cloned.1.call-start
scs
called_computation_lowered:
.L_overlay_start_0:
0x0: {  	s2 =	sld [smem:$0x3FD9]  }
0x1: {  	s3 =	sld [smem:$0x3FFE];
	_ =	sdelay $0x1  }
0x2: {  	s1 =	srdreg.scid  }
0x3: {  	s0 =	sand.u32 $0x1, s1  }
0x4: {  	s18 =	sshll.u32 s0, $0xA;
	s2 =	sadd.s32 s3, s2  }
0x5: {  	s2 =	sadd.s32 s2, s18  }
0x6: {  	[smem:$0x3FC6] =	sst s2  }
0x7: {  	_ = 	snop  }
0x8: {  	s2 =	sld [smem:$0x3FD0];
	(tm) =	ssettm $0x1  }
0x9: {  	s19 =	sld [smem:$0x3FFB];
	_ =	sdelay $0x3  }
0xa: {  	_ =	strace s19  }
0xb: {  	s3 =	sld [smem:$0x3FFC];
	_ =	sdelay $0x3  }
0xc: {  	_ =	strace s3  }
0xd: {  	s3 =	sld [smem:$0x3FFD];
	_ =	sdelay $0x3  }
0xe: {  	_ =	strace s3  }
0xf: {  	_ =	strace $0x8FFFFFFF  }
0x10: {  	s20 =	sld [smem:$0x3FDB];
	_ =	sdelay $0x1  }
0x11: {  	s4 =	simm.s32 $_scs_section_size  }
0x12: {  	s5 =	simm.s32 $_size__tile_overlayer_lowered;
	s6 =	simm.s32 $_tile_overlayer_lowered  }
0x13: {  	s23 =	simm.s32 $0x1BFF;
	s22 =	sshll.u32 s6, $0x1;
	s3 =	sadd.s32 s4, s20  }
0x14: {  	s7 =	simm.s32 $0x0;
	s21 =	sshll.u32 s5, $0x1;
	s5 =	sadd.s32 s22, s3  }
0x15: {  	[timem:s7], [sflag:s23] =	dma.local [hbm:s5], s21  }
0x16: {  	_ =	swait.ge [sflag:s23], s21  }
0x17: {  	s4 =	ssub.s32 $0x0, s21;
	[sflag:s23] =	ssyncset.done $0x0  }
0x18: {  	[sflag:s23] =	ssyncadd.s32 s4;
	_ =	sdelay $0x1  }
0x19: {  	s24 =	simm.s32 $0x1B8B  }
0x1a: {  	_ =	swait.ge [sflag:s24], $0x1  }
0x1b: {  	[sflag:s24] =	ssyncset.done $0x0  }
0x1c: {  	s26 =	simm.s32 $0x1B8E;
	s25 =	sld [smem:$0x3FFE];
	[sflag:s24] =	ssyncadd.s32 $0xFFFFFFFF  }
0x1d: {  	s27 =	simm.s32 $execute0_lowered;
	[smem:$0x3FD2] =	sst s26  }
0x1e: {  	s5 =	sshll.u32 s27, $0x1;
	_ =	strace $0x80000049;
	[dreg:$0x1] =	wrdreg $0xFFFFFFFF  }
0x1f: {  	s28 =	simm.s32 $_size_execute0_lowered;
	s3 =	sadd.s32 s3, s5;
	[dreg:$0x0] =	wrdreg $0x0  }
0x20: {  	s5 =	sshll.u32 s28, $0x1;
	[dreg:$0x2] =	wrdreg s3  }
0x21: {  	[dreg:$0x3] =	wrdreg s5  }
0x22: {  	[dreg:$0x4] =	wrdreg $0xC0  }
0x23: {  	_ =	task [dreg:s7], $0x5FFFF  }
0x24: {  	[dreg:$0x1] =	wrdreg $0xFFFFFFFF  }
0x25: {  	[dreg:$0x0] =	wrdreg $0x60  }
0x26: {  	[dreg:$0x2] =	wrdreg s25  }
0x27: {  	[dreg:$0x3] =	wrdreg s2  }
0x28: {  	[dreg:$0x4] =	wrdreg $0x9  }
0x29: {  	_ =	task.clear_ibuf [dreg:s7], $0x5FFFF;
	_ =	strace $0x90000049  }
0x2a: {  	s29 =	simm.s32 $0x9;
	_ =	strace $0x8000004B  }
0x2b: {  	_ =	swait.ge [sflag:s29], $0x1  }
0x2c: {  	[sflag:s29] =	ssyncadd.s32 $0xFFFFFFFF  }
0x2d: {  	_ =	strace $0x9000004B  }
0x2e: {  	_ =	sfence  }
0x2f: {  	s30 =	sld [smem:$0x0];
	_ =	sdelay $0x2  }
0x30: {  	s31 =	sshll.u32 s1, $0xD;
	s1 =	sshrl.u32 s1, $0x2  }
0x31: {  	s3 =	sand.u32 $0x4000, s31;
	s1 =	sadd.s32 s1, s30  }
0x32: {  	s0 =	sor.u32 s3, s0;
	s1 =	sshll.u32 s1, $0x11  }
0x33: {  	s0 =	sor.u32 s1, s0  }
0x34: {  	s0 =	sadd.s32 $0x8F2B, s0  }
0x35: {  	[sflag:s0] =	ssyncadd.remote.s32 $0x1  }
0x36: {  	_ =	sfence.sel $0xFFFF  }
0x37: {  	[dreg:$0x0] =	wrdreg $0xFFFFFFFF;
	(pc) =	sbr.abs _section_cstart, $3  }
0x38: {  	[dreg:$0x1] =	wrdreg $0xFFFFFFFF  }
0x39: {  	_ =	task.clear_ibuf [dreg:s7], $0x2FFFF;
	_ =	strace $0x9FFFFFFF  }
0x3a: {  	(tm) =	ssettm $0x7FFFFFFF  }
0x3b: {  	_ =	shalt  }
tec
execute0_lowered:
.L_overlay_start_1:
0x0: {  	(tag) =	ssettag $0x1  }
0x1: {  	s0 =	srdreg.scid  }
0x2: {  	s1 =	sshll.u32 s0, $0x4  }
0x3: {  	s0 =	stileid.u32;
	s1 =	sand.u32 $0x10, s1  }
0x4: {  	s1 =	sor.u32 s0, s1  }
0x5: {  	s6 =	rddreg [dreg:$0x0];
	s4 =	simm.s32 $0x1;
	s2 =	sshll.u32 s1, $0x7  }
0x6: {  	s7 =	simm.s32 $0x2;
	s12 =	simm.s32 $0x0;
	s1 =	ssub.s32 $0x1000, s2  }
0x7: {  	s8 =	simm.s32 $0x8000;
	s13 =	simm.s32 $0x0;
	s3 =	sand.u32 $0xF80, s1  }
0x8: {  	s9 =	simm.s32 $0x0;
	s5 =	sshrl.u32 s1, $0xC;
	p0 =	sne.s32 s3, $0x0  }
.Ltmp0:
0x9: {  	s1 =	rddreg [dreg:$0x2];
	s4 =	simm.s32 @!p0 $0x0;
	(pc) =	sbr.rel .LBB1_1-.Ltmp0, $4  }
0xa: {  	s11 =	simm.s32 $0x0;
	s3 =	rddreg [dreg:$0x1];
	s5 =	sadd.s32 s4, s5  }
0xb: {  	_ =	strace $0x8000004A;
	s4 =	simm.s32 $0x1;
	s5 =	smul.u32 $0x32, s5  }
0xc: {  	s6 =	sadd.s32 $0x197800, s6;
	s10 =	smov.u32 s2;
	[sflag:s4] =	ssyncpa.u1 $0x0  }
0xd: {  	p0 =	por $0x0, $0x0;
	[sflag:s7] =	ssyncpa.u1 $0x0;
	s7 =	sor.u32 $0x1, s5  }
.LBB1_4:
0xe: {  	s16 =	sshll.u32 s13, $0x3;
	s17 =	sand.u32 $0x78, s13  }
0xf: {  	s30 =	sand.u32 $0x7E00, s13;
	s12 =	sshll.u32 s12, $0xF;
	s16 =	sand.u32 $0xC00, s16  }
0x10: {  	[tilespmem:s15+$0x810 ss:$0x81] =	vst.msk $0xffff, v2;
	s31 =	sand.u32 $0x7, s13;
	s16 =	sor.u32 s17, s16;
	s17 =	sadd.s32 s3, s30  }
0x11: {  	[tilespmem:s15+$0x1020 ss:$0x81] =	vst.msk $0xffff, v0;
	s13 =	sshll.u32 s31, $0x12;
	s12 =	sadd.s32 s12, s17;
	s16 =	sshrl.u32 s16, $0x3  }
0x12: {  	[tilespmem:s15+$0x0 ss:$0x81] =	vst.msk $0xffff, v1;
	s13 =	sor.u32 $0x400, s13;
	s12 =	sadd.s32 s16, s12  }
0x13: {  	[hbm4b:s12+s13] =	stream.strided.scatter [tilespmem:s14], [sflag:$0x2], $0x2000, s8, s13, $0x20;
	[tilespmem:$0x8080] =	vst v63  }
.LBB1_5:
0x14: {  	s14 =	sadd.s32 $0x1, s9  }
0x15: {  	s12 =	sadd.s32 $0x1000, s10;
	s16 =	smov.u32 s10;
	p2 =	sgt.s32 s14, $0x31  }
0x16: {  	s16 =	smov.u32 @p2 s12  }
0x17: {  	s14 =	simm.s32 @p2 $0x0;
	p2 =	sgt.s32 s16, $0xFFF  }
0x18: {  	s16 =	smov.u32 @p2 s2;
	p2 =	sne.s32 s11, s7  }
.Ltmp1:
0x19: {  	p1 =	slt.u32 s11, $0x2;
	(pc) =	sbr.rel @!p2 .LBB1_6-.Ltmp1, $4  }
0x1a: {  	s15 =	simm.s32 @!p1 $0x2  }
0x1b: {  	s13 =	smov.u32 s10;
	p0 =	por !p0, !p0;
	_ =	swait.ge @!p1 [sflag:s15], $0x2000  }
0x1c: {  	s12 =	smov.u32 s9;
	[sflag:s15] =	ssyncset.done @!p1 $0x0;
	s9 =	smov.u32 s14  }
0x1d: {  	s11 =	sadd.s32 $0x1, s11;
	[sflag:s15] =	ssyncadd.s32 @!p1 $0xFFFFE000;
	s10 =	smov.u32 s16  }
.LBB1_1:
0x1e: {  	p1 =	sge.u32 s11, s5  }
0x1f: {  	s14 =	sand.u32 @!p1 $0x1FFFFFF, s9  }
0x20: {  	s15 =	smulhi.u32 @!p1 $0x4924925, s14;
	_ =	sdelay $0x1  }
0x21: {  	s15 =	smul.u32 @!p1 $0x38, s15  }
0x22: {  	s16 =	sxor.u32 @!p1 $0xFFFFFFFF, s11;
	s17 =	smul.u32 @!p1 $0x380, s10  }
0x23: {  	s31 =	sadd.s32 $0xFFFFFFFF, s11;
	s16 =	sshll.u32 @!p1 s16, $0xD;
	s14 =	ssub.s32 @!p1 s14, s15  }
0x24: {  	s15 =	sand.u32 @!p1 $0x2000, s16;
	s16 =	sadd.s32 @!p1 s6, s17;
	s14 =	sshll.u32 @!p1 s14, $0x4  }
0x25: {  	s17 =	simm.s32 @!p1 $0x1C00;
	s14 =	sadd.s32 @!p1 s14, s16;
	s16 =	simm.s32 @!p1 $0x40  }
0x26: {  	[tilespmem:s15], [sflag:$0x1] =	stream.strided.gather @!p1 [hbm4b:s14+s16], $0x2000, s17, s16, $0x38;
	[tilespmem:$0x8080] =	vst v63  }
0x27: {  	p1 =	sge.u32 s31, s5  }
.Ltmp2:
0x28: {  	_ = 	snop;
	(pc) =	sbr.rel @p1 .LBB1_5-.Ltmp2, $1  }
0x29: {  	_ =	sdelay $0x3  }
0x2a: {  	s14 =	simm.s32 $0x1  }
0x2b: {  	_ =	swait.ge [sflag:s4], $0x2000;
	s14 =	simm.s32 @!p0 $0x0  }
0x2c: {  	[sflag:s4] =	ssyncset.done $0x0;
	s15 =	sshll.u32 s14, $0xD  }
0x2d: {  	[sflag:s4] =	ssyncadd.s32 $0xFFFFE000;
	s18 =	sor.u32 $0x20, s15  }
0x2e: {  	s14 =	smul.u32 $0x8100, s14;
	v3 =	vld [tilespmem:s18+$0x10]  }
0x2f: {  	s30 =	sand.u32 $0x1, s11;
	v2 =	vld [tilespmem:s18+$0xFFFFFFF0]  }
0x30: {  	s15 =	smul.u32 $0x8100, s30;
	s14 =	sshrl.u32 s14, $0x2;
	v0 =	vld [tilespmem:s18+$0x0]  }
0x31: {  	v1 =	vld [tilespmem:s18+$0xFFFFFFE0];
	s16 =	sor.u32 $0x4000, s14  }
0x32: {  	s31 =	sshrl.u32 s15, $0x2;
	s15 =	sadd.s32 $0x0, s16  }
0x33: {  	s17 =	simm.s32 $0x4;
	s18 =	sadd.s32 $0x40, s18;
	s14 =	sor.u32 $0x4000, s31;
	[tilespmem:s15+$0x1830 ss:$0x81] =	vst.msk $0xffff, v3  }
.LBB1_3:
0x34: {  	v3 =	vld [tilespmem:s18+$0x10];
	p1 =	sne.s32 s17, $0x1FC;
	[tilespmem:s15+$0x810 ss:$0x81] =	vst.msk $0xffff, v2;
	s19 =	smov.u32 s17;
	s17 =	sadd.s32 $0x4, s17  }
.Ltmp3:
0x35: {  	v2 =	vld [tilespmem:s18+$0xFFFFFFF0];
	[tilespmem:s15+$0x1020 ss:$0x81] =	vst.msk $0xffff, v0;
	(pc) =	sbr.rel @p1 .LBB1_3-.Ltmp3, $4  }
0x36: {  	v0 =	vld [tilespmem:s18+$0x0];
	[tilespmem:s15+$0x0 ss:$0x81] =	vst.msk $0xffff, v1  }
0x37: {  	s15 =	sshra.s32 s19, $0x2;
	v1 =	vld [tilespmem:s18+$0xFFFFFFE0]  }
0x38: {  	s15 =	sadd.s32 s15, s16  }
0x39: {  	s18 =	sadd.s32 $0x40, s18;
	[tilespmem:s15+$0x1830 ss:$0x81] =	vst.msk $0xffff, v3  }
.Ltmp4:
0x3a: {  	_ = 	snop;
	(pc) =	sbr.rel .LBB1_4-.Ltmp4, $1  }
0x3b: {  	_ =	sdelay $0x3  }
.LBB1_6:
0x3c: {  	_ =	sfence.sel $0x180000  }
0x3d: {  	s2 =	simm.s32 $0x1;
	[bflag:$0x0] =	sbarrier.arrive $0xFFFF  }
0x3e: {  	s31 =	simm.s32 $0x2;
	[sflag:s2] =	ssyncpa.u1 $0x1  }
0x3f: {  	[sflag:s31] =	ssyncpa.u1 $0x1  }
0x40: {  	p0 =	sne.s32 s0, $0x0;
	_ =	strace $0x9000004A  }
0x41: {  	s0 =	sadd.s32 @!p0 $0x100000, s1;
	[bflag:$0x2] =	sbarrier.arrive $0xFFFF  }
0x42: {  	[sflag:s0] =	ssyncadd.tile.s32 @!p0 $0x1;
	_ =	shalt  }
.Lfunc_end1:
_tile_overlayer_lowered:
.L_overlay_start_2:
0x43: {  	(tag) =	ssettag $0x2  }
0x44: {  	s0 =	rddreg [dreg:$0x0];
	s2 =	stileid.u32  }
0x45: {  	s1 =	rddreg [dreg:$0x1];
	p0 =	sne.s32 s2, $0x0  }
0x46: {  	s3 =	rddreg [dreg:$0x2];
	[bflag:$0x3] =	sbarrier.arrive $0xFFFF;
	s2 =	simm.s32 @!p0 $0x1C01  }
0x47: {  	[timem:s3], [sflag:s2] =	dma.local @!p0 [hbm:s0], s1  }
0x48: {  	s0 =	simm.s32 @!p0 $0x1  }
0x49: {  	_ =	swait.ge @!p0 [sflag:s0], s1  }
0x4a: {  	s1 =	ssub.s32 @!p0 $0x0, s1;
	[sflag:s0] =	ssyncset.done @!p0 $0x0  }
0x4b: {  	[sflag:s0] =	ssyncadd.s32 @!p0 s1  }
0x4c: {  	[bflag:$0x3] =	sbarrier.arrive $0xFFFF  }
0x4d: {  	_ =	shalt  }

</sc_bundles>
